<compile_context>
chip_gen: v7x
topology: tpu7x:2x2x1
jax: 0.10.2.dev20260603
libtpu: 0.0.44.dev20260713+nightly
codegen_flags: <defaults>
</compile_context>

<pallas_src>
import jax
import jax.numpy as jnp
from jax import lax
from jax.experimental import pallas as pl
from jax.experimental.pallas import tpu as pltpu, tpu_sc as plsc
from jax._src.pallas import mpmd as _mpmd

_ROWS = 8192
_D = 1024
_NC = 2
_NS = 16
_NW = _NC * _NS

_TEC_ROWS = 4096
_RPW = _TEC_ROWS // _NW
_C = 32
_NCH = _RPW // _C

_SCS_ROWS = _ROWS - _TEC_ROWS
_SC_C = 512
_SC_NCH = (_SCS_ROWS // _NC) // _SC_C


def _tec_fn(W_hbm, out_hbm, spbuf):
    del spbuf

    def body(buf, lsem, ssem):
        wid = lax.axis_index("s") * _NC + lax.axis_index("c")
        base = wid * _RPW

        def load(i, b):
            return pltpu.make_async_copy(
                W_hbm.at[pl.ds(base + i * _C, _C)], buf.at[b], lsem.at[b])

        def store(i, b):
            return pltpu.make_async_copy(
                buf.at[b], out_hbm.at[pl.ds(base + i * _C, _C)], ssem.at[b])

        load(0, 0).start()
        for i in range(_NCH):
            b = i % 2
            if i + 1 < _NCH:
                nb = (i + 1) % 2
                if i + 1 >= 2:
                    store(i - 1, nb).wait()
                load(i + 1, nb).start()
            load(i, b).wait()
            store(i, b).start()
        for i in range(max(0, _NCH - 2), _NCH):
            store(i, i % 2).wait()

    pl.run_scoped(
        body,
        pltpu.VMEM((2, _C, _D), jnp.float32),
        pltpu.SemaphoreType.DMA((2,)),
        pltpu.SemaphoreType.DMA((2,)),
    )


def _scs_fn(W_hbm, out_hbm, spbuf):
    def body(lsem, ssem):
        cid = lax.axis_index("c")
        base = _TEC_ROWS + cid * (_SCS_ROWS // _NC)

        def load(i, b):
            return pltpu.make_async_copy(
                W_hbm.at[pl.ds(base + i * _SC_C, _SC_C)], spbuf.at[b],
                lsem.at[b])

        def store(i, b):
            return pltpu.make_async_copy(
                spbuf.at[b], out_hbm.at[pl.ds(base + i * _SC_C, _SC_C)],
                ssem.at[b])

        load(0, 0).start()
        for i in range(_SC_NCH):
            b = i % 2
            if i + 1 < _SC_NCH:
                nb = (i + 1) % 2
                if i + 1 >= 2:
                    store(i - 1, nb).wait()
                load(i + 1, nb).start()
            load(i, b).wait()
            store(i, b).start()
        for i in range(max(0, _SC_NCH - 2), _SC_NCH):
            store(i, i % 2).wait()

    pl.run_scoped(
        body,
        pltpu.SemaphoreType.DMA((2,)),
        pltpu.SemaphoreType.DMA((2,)),
    )


@jax.jit
def _copy(W):
    scalar_mesh = plsc.ScalarSubcoreMesh(axis_name="c", num_cores=_NC)
    vector_mesh = plsc.VectorSubcoreMesh(
        core_axis_name="c", subcore_axis_name="s")
    return _mpmd.mpmd_map(
        [(vector_mesh, _tec_fn), (scalar_mesh, _scs_fn)],
        jax.ShapeDtypeStruct((_ROWS, _D), jnp.float32),
        scratch_types=(
            pltpu.VMEM_SHARED((2, _SC_C, _D), jnp.float32),
        ),
    )(W)


def kernel(x, W):
    del x
    return _copy(W)[None]

# --- scband reference (transcript-rebuilt; emitter-appended) ---
"""Pipeline reference for scband-positional-embedding-48120813584711 (READ-ONLY COPY).

The authoritative reference and input builder live on the scoring server;
editing this copy changes nothing except your own understanding.
"""

import jax, jax.numpy as jnp
import numpy as np

BLOCK_SIZE = 8192
N_EMBD = 1024

def setup_inputs(seed: int = 0) -> dict:
    key = jax.random.key(seed)
    k1, k2 = jax.random.split(key)
    x = jax.random.randint(k1, (4, 8192), 0, 50257, dtype=jnp.int64 if jax.config.jax_enable_x64 else jnp.int32).astype(jnp.int32)
    W = jax.random.normal(k2, (BLOCK_SIZE, N_EMBD), dtype=jnp.float32)
    return {"x": x, "W": W}

def reference(x, W):
    # Faithful translation of PositionalEmbedding.forward
    t = x.shape[1]
    # assert t <= BLOCK_SIZE in torch version; shapes here guarantee it
    pos = jnp.arange(0, t, dtype=jnp.int32)[None, :]  # [1, t]
    out = jnp.take(W, pos, axis=0)  # [1, t, n_embd] embedding gather
    return out

if __name__ == "__main__":
    import jax
    _d = setup_inputs()
    print(jax.jit(kernel)(*tuple(_d.values())))

</pallas_src>

<mosaic_0001>
#map = affine_map<(d0, d1) -> (0, 0)>
#map1 = affine_map<(d0) -> (0, 0)>
module attributes {stable_mosaic.version = 14 : i64} {
  func.func @_tec_fn(%arg0: i32, %arg1: i32, %arg2: memref<8192x1024xf32, #tpu.memory_space<hbm>>, %arg3: memref<8192x1024xf32, #tpu.memory_space<hbm>>, %arg4: memref<2x512x1024xf32, #tpu.memory_space<vmem_shared>>) attributes {dimension_semantics = [#tpu.dimension_semantics<core_parallel>, #tpu.dimension_semantics<subcore_parallel>], iteration_bounds = array<i64: 2, 16>, scalar_prefetch = 0 : i64, scratch_operands = 1 : i64, tpu.core_type = #tpu.core_type<sc_vector_subcore>, window_params = [{transform_indices = #map}, {transform_indices = #map}]} {
    "tpu.region"() ({
      %run_scoped3A = memref.alloca() : memref<2x32x1024xf32, #tpu.memory_space<vmem>>
      %run_scoped3A_0 = tpu.sem_alloc : memref<2x!tpu.dma_semaphore, #tpu.memory_space<semaphore_mem>>
      %run_scoped3A_1 = tpu.sem_alloc : memref<2x!tpu.dma_semaphore, #tpu.memory_space<semaphore_mem>>
      %mul3A = arith.constant 2 : i32
      %mul3A_2 = arith.muli %arg1, %mul3A : i32
      %add3A = arith.addi %mul3A_2, %arg0 : i32
      %mul3A_3 = arith.constant 128 : i32
      %mul3A_4 = arith.muli %add3A, %mul3A_3 : i32
      %add3A_5 = arith.constant 0 : i32
      %add3A_6 = arith.addi %mul3A_4, %add3A_5 : i32
      %dma_start3A = arith.constant 0 : i32
      %dma_start3A_7 = arith.constant 0 : i32
      %dma_start3A_8 = arith.constant 0 : i32
      %dma_start3A_9 = arith.constant 0 : i32
      %dma_start3A_10 = tpu.memref_slice %run_scoped3A[%dma_start3A, %dma_start3A_8, %dma_start3A_9] : memref<2x32x1024xf32, #tpu.memory_space<vmem>> -> memref<1x32x1024xf32, #tpu.memory_space<vmem>>
      %dma_start3A_11 = tpu.memref_squeeze %dma_start3A_10 : memref<1x32x1024xf32, #tpu.memory_space<vmem>> -> memref<32x1024xf32, #tpu.memory_space<vmem>>
      %dma_start3A_12 = arith.constant 0 : i32
      %dma_start3A_13 = tpu.memref_slice %arg2[%add3A_6, %dma_start3A_12] : memref<8192x1024xf32, #tpu.memory_space<hbm>> -> memref<32x1024xf32, #tpu.memory_space<hbm>>
      %dma_start3A_14 = tpu.memref_slice %run_scoped3A_0[%dma_start3A_7] : memref<2x!tpu.dma_semaphore, #tpu.memory_space<semaphore_mem>> -> memref<1x!tpu.dma_semaphore, #tpu.memory_space<semaphore_mem>>
      %dma_start3A_15 = tpu.memref_squeeze %dma_start3A_14 : memref<1x!tpu.dma_semaphore, #tpu.memory_space<semaphore_mem>> -> memref<!tpu.dma_semaphore, #tpu.memory_space<semaphore_mem>>
      %dma_start3A_16 = arith.constant 0 : i32
      %dma_start3A_17 = arith.constant 0 : i32
      %dma_start3A_18 = tpu.memref_slice %run_scoped3A[%dma_start3A, %dma_start3A_16, %dma_start3A_17] : memref<2x32x1024xf32, #tpu.memory_space<vmem>> -> memref<1x32x1024xf32, #tpu.memory_space<vmem>>
      %dma_start3A_19 = tpu.memref_squeeze %dma_start3A_18 : memref<1x32x1024xf32, #tpu.memory_space<vmem>> -> memref<32x1024xf32, #tpu.memory_space<vmem>>
      %dma_start3A_20 = arith.constant 0 : i32
      %dma_start3A_21 = tpu.memref_slice %arg2[%add3A_6, %dma_start3A_20] : memref<8192x1024xf32, #tpu.memory_space<hbm>> -> memref<32x1024xf32, #tpu.memory_space<hbm>>
      tpu.enqueue_dma source(%dma_start3A_21 : memref<32x1024xf32, #tpu.memory_space<hbm>>) target(%dma_start3A_19 : memref<32x1024xf32, #tpu.memory_space<vmem>>) target_semaphore(%dma_start3A_15 : memref<!tpu.dma_semaphore, #tpu.memory_space<semaphore_mem>>)
      %add3A_22 = arith.constant 32 : i32
      %add3A_23 = arith.addi %mul3A_4, %add3A_22 : i32
      %dma_start3A_24 = arith.constant 1 : i32
      %dma_start3A_25 = arith.constant 1 : i32
      %dma_start3A_26 = arith.constant 0 : i32
      %dma_start3A_27 = arith.constant 0 : i32
      %dma_start3A_28 = tpu.memref_slice %run_scoped3A[%dma_start3A_24, %dma_start3A_26, %dma_start3A_27] : memref<2x32x1024xf32, #tpu.memory_space<vmem>> -> memref<1x32x1024xf32, #tpu.memory_space<vmem>>
      %dma_start3A_29 = tpu.memref_squeeze %dma_start3A_28 : memref<1x32x1024xf32, #tpu.memory_space<vmem>> -> memref<32x1024xf32, #tpu.memory_space<vmem>>
      %dma_start3A_30 = arith.constant 0 : i32
      %dma_start3A_31 = tpu.memref_slice %arg2[%add3A_23, %dma_start3A_30] : memref<8192x1024xf32, #tpu.memory_space<hbm>> -> memref<32x1024xf32, #tpu.memory_space<hbm>>
      %dma_start3A_32 = tpu.memref_slice %run_scoped3A_0[%dma_start3A_25] : memref<2x!tpu.dma_semaphore, #tpu.memory_space<semaphore_mem>> -> memref<1x!tpu.dma_semaphore, #tpu.memory_space<semaphore_mem>>
      %dma_start3A_33 = tpu.memref_squeeze %dma_start3A_32 : memref<1x!tpu.dma_semaphore, #tpu.memory_space<semaphore_mem>> -> memref<!tpu.dma_semaphore, #tpu.memory_space<semaphore_mem>>
      %dma_start3A_34 = arith.constant 0 : i32
      %dma_start3A_35 = arith.constant 0 : i32
      %dma_start3A_36 = tpu.memref_slice %run_scoped3A[%dma_start3A_24, %dma_start3A_34, %dma_start3A_35] : memref<2x32x1024xf32, #tpu.memory_space<vmem>> -> memref<1x32x1024xf32, #tpu.memory_space<vmem>>
      %dma_start3A_37 = tpu.memref_squeeze %dma_start3A_36 : memref<1x32x1024xf32, #tpu.memory_space<vmem>> -> memref<32x1024xf32, #tpu.memory_space<vmem>>
      %dma_start3A_38 = arith.constant 0 : i32
      %dma_start3A_39 = tpu.memref_slice %arg2[%add3A_23, %dma_start3A_38] : memref<8192x1024xf32, #tpu.memory_space<hbm>> -> memref<32x1024xf32, #tpu.memory_space<hbm>>
      tpu.enqueue_dma source(%dma_start3A_39 : memref<32x1024xf32, #tpu.memory_space<hbm>>) target(%dma_start3A_37 : memref<32x1024xf32, #tpu.memory_space<vmem>>) target_semaphore(%dma_start3A_33 : memref<!tpu.dma_semaphore, #tpu.memory_space<semaphore_mem>>)
      %add3A_40 = arith.constant 0 : i32
      %add3A_41 = arith.addi %mul3A_4, %add3A_40 : i32
      %dma_wait3A = arith.constant 0 : i32
      %dma_wait3A_42 = arith.constant 0 : i32
      %dma_wait3A_43 = arith.constant 0 : i32
      %dma_wait3A_44 = arith.constant 0 : i32
      %dma_wait3A_45 = tpu.memref_slice %run_scoped3A[%dma_wait3A, %dma_wait3A_43, %dma_wait3A_44] : memref<2x32x1024xf32, #tpu.memory_space<vmem>> -> memref<1x32x1024xf32, #tpu.memory_space<vmem>>
      %dma_wait3A_46 = tpu.memref_squeeze %dma_wait3A_45 : memref<1x32x1024xf32, #tpu.memory_space<vmem>> -> memref<32x1024xf32, #tpu.memory_space<vmem>>
      %dma_wait3A_47 = arith.constant 0 : i32
      %dma_wait3A_48 = tpu.memref_slice %arg2[%add3A_41, %dma_wait3A_47] : memref<8192x1024xf32, #tpu.memory_space<hbm>> -> memref<32x1024xf32, #tpu.memory_space<hbm>>
      %dma_wait3A_49 = tpu.memref_slice %run_scoped3A_0[%dma_wait3A_42] : memref<2x!tpu.dma_semaphore, #tpu.memory_space<semaphore_mem>> -> memref<1x!tpu.dma_semaphore, #tpu.memory_space<semaphore_mem>>
      %dma_wait3A_50 = tpu.memref_squeeze %dma_wait3A_49 : memref<1x!tpu.dma_semaphore, #tpu.memory_space<semaphore_mem>> -> memref<!tpu.dma_semaphore, #tpu.memory_space<semaphore_mem>>
      %dma_wait3A_51 = arith.constant 0 : i32
      %dma_wait3A_52 = arith.constant 0 : i32
      %dma_wait3A_53 = tpu.memref_slice %run_scoped3A[%dma_wait3A, %dma_wait3A_51, %dma_wait3A_52] : memref<2x32x1024xf32, #tpu.memory_space<vmem>> -> memref<1x32x1024xf32, #tpu.memory_space<vmem>>
      %dma_wait3A_54 = tpu.memref_squeeze %dma_wait3A_53 : memref<1x32x1024xf32, #tpu.memory_space<vmem>> -> memref<32x1024xf32, #tpu.memory_space<vmem>>
      %dma_wait3A_55 = arith.constant 0 : i32
      %dma_wait3A_56 = tpu.memref_slice %arg2[%add3A_41, %dma_wait3A_55] : memref<8192x1024xf32, #tpu.memory_space<hbm>> -> memref<32x1024xf32, #tpu.memory_space<hbm>>
      tpu.wait_dma2 semaphore(%dma_wait3A_50 : memref<!tpu.dma_semaphore, #tpu.memory_space<semaphore_mem>>) src(%dma_wait3A_56 : memref<32x1024xf32, #tpu.memory_space<hbm>>) dst(%dma_wait3A_54 : memref<32x1024xf32, #tpu.memory_space<vmem>>)
      %add3A_57 = arith.constant 0 : i32
      %add3A_58 = arith.addi %mul3A_4, %add3A_57 : i32
      %dma_start3A_59 = arith.constant 0 : i32
      %dma_start3A_60 = arith.constant 0 : i32
      %dma_start3A_61 = arith.constant 0 : i32
      %dma_start3A_62 = arith.constant 0 : i32
      %dma_start3A_63 = tpu.memref_slice %run_scoped3A[%dma_start3A_59, %dma_start3A_61, %dma_start3A_62] : memref<2x32x1024xf32, #tpu.memory_space<vmem>> -> memref<1x32x1024xf32, #tpu.memory_space<vmem>>
      %dma_start3A_64 = tpu.memref_squeeze %dma_start3A_63 : memref<1x32x1024xf32, #tpu.memory_space<vmem>> -> memref<32x1024xf32, #tpu.memory_space<vmem>>
      %dma_start3A_65 = arith.constant 0 : i32
      %dma_start3A_66 = tpu.memref_slice %arg3[%add3A_58, %dma_start3A_65] : memref<8192x1024xf32, #tpu.memory_space<hbm>> -> memref<32x1024xf32, #tpu.memory_space<hbm>>
      %dma_start3A_67 = tpu.memref_slice %run_scoped3A_1[%dma_start3A_60] : memref<2x!tpu.dma_semaphore, #tpu.memory_space<semaphore_mem>> -> memref<1x!tpu.dma_semaphore, #tpu.memory_space<semaphore_mem>>
      %dma_start3A_68 = tpu.memref_squeeze %dma_start3A_67 : memref<1x!tpu.dma_semaphore, #tpu.memory_space<semaphore_mem>> -> memref<!tpu.dma_semaphore, #tpu.memory_space<semaphore_mem>>
      %dma_start3A_69 = arith.constant 0 : i32
      %dma_start3A_70 = tpu.memref_slice %arg3[%add3A_58, %dma_start3A_69] : memref<8192x1024xf32, #tpu.memory_space<hbm>> -> memref<32x1024xf32, #tpu.memory_space<hbm>>
      %dma_start3A_71 = arith.constant 0 : i32
      %dma_start3A_72 = arith.constant 0 : i32
      %dma_start3A_73 = tpu.memref_slice %run_scoped3A[%dma_start3A_59, %dma_start3A_71, %dma_start3A_72] : memref<2x32x1024xf32, #tpu.memory_space<vmem>> -> memref<1x32x1024xf32, #tpu.memory_space<vmem>>
      %dma_start3A_74 = tpu.memref_squeeze %dma_start3A_73 : memref<1x32x1024xf32, #tpu.memory_space<vmem>> -> memref<32x1024xf32, #tpu.memory_space<vmem>>
      tpu.enqueue_dma source(%dma_start3A_74 : memref<32x1024xf32, #tpu.memory_space<vmem>>) target(%dma_start3A_70 : memref<32x1024xf32, #tpu.memory_space<hbm>>) target_semaphore(%dma_start3A_68 : memref<!tpu.dma_semaphore, #tpu.memory_space<semaphore_mem>>)
      %add3A_75 = arith.constant 0 : i32
      %add3A_76 = arith.addi %mul3A_4, %add3A_75 : i32
      %dma_wait3A_77 = arith.constant 0 : i32
      %dma_wait3A_78 = arith.constant 0 : i32
      %dma_wait3A_79 = arith.constant 0 : i32
      %dma_wait3A_80 = arith.constant 0 : i32
      %dma_wait3A_81 = tpu.memref_slice %run_scoped3A[%dma_wait3A_77, %dma_wait3A_79, %dma_wait3A_80] : memref<2x32x1024xf32, #tpu.memory_space<vmem>> -> memref<1x32x1024xf32, #tpu.memory_space<vmem>>
      %dma_wait3A_82 = tpu.memref_squeeze %dma_wait3A_81 : memref<1x32x1024xf32, #tpu.memory_space<vmem>> -> memref<32x1024xf32, #tpu.memory_space<vmem>>
      %dma_wait3A_83 = arith.constant 0 : i32
      %dma_wait3A_84 = tpu.memref_slice %arg3[%add3A_76, %dma_wait3A_83] : memref<8192x1024xf32, #tpu.memory_space<hbm>> -> memref<32x1024xf32, #tpu.memory_space<hbm>>
      %dma_wait3A_85 = tpu.memref_slice %run_scoped3A_1[%dma_wait3A_78] : memref<2x!tpu.dma_semaphore, #tpu.memory_space<semaphore_mem>> -> memref<1x!tpu.dma_semaphore, #tpu.memory_space<semaphore_mem>>
      %dma_wait3A_86 = tpu.memref_squeeze %dma_wait3A_85 : memref<1x!tpu.dma_semaphore, #tpu.memory_space<semaphore_mem>> -> memref<!tpu.dma_semaphore, #tpu.memory_space<semaphore_mem>>
      %dma_wait3A_87 = arith.constant 0 : i32
      %dma_wait3A_88 = tpu.memref_slice %arg3[%add3A_76, %dma_wait3A_87] : memref<8192x1024xf32, #tpu.memory_space<hbm>> -> memref<32x1024xf32, #tpu.memory_space<hbm>>
      %dma_wait3A_89 = arith.constant 0 : i32
      %dma_wait3A_90 = arith.constant 0 : i32
      %dma_wait3A_91 = tpu.memref_slice %run_scoped3A[%dma_wait3A_77, %dma_wait3A_89, %dma_wait3A_90] : memref<2x32x1024xf32, #tpu.memory_space<vmem>> -> memref<1x32x1024xf32, #tpu.memory_space<vmem>>
      %dma_wait3A_92 = tpu.memref_squeeze %dma_wait3A_91 : memref<1x32x1024xf32, #tpu.memory_space<vmem>> -> memref<32x1024xf32, #tpu.memory_space<vmem>>
      tpu.wait_dma2 semaphore(%dma_wait3A_86 : memref<!tpu.dma_semaphore, #tpu.memory_space<semaphore_mem>>) src(%dma_wait3A_92 : memref<32x1024xf32, #tpu.memory_space<vmem>>) dst(%dma_wait3A_88 : memref<32x1024xf32, #tpu.memory_space<hbm>>)
      %add3A_93 = arith.constant 64 : i32
      %add3A_94 = arith.addi %mul3A_4, %add3A_93 : i32
      %dma_start3A_95 = arith.constant 0 : i32
      %dma_start3A_96 = arith.constant 0 : i32
      %dma_start3A_97 = arith.constant 0 : i32
      %dma_start3A_98 = arith.constant 0 : i32
      %dma_start3A_99 = tpu.memref_slice %run_scoped3A[%dma_start3A_95, %dma_start3A_97, %dma_start3A_98] : memref<2x32x1024xf32, #tpu.memory_space<vmem>> -> memref<1x32x1024xf32, #tpu.memory_space<vmem>>
      %dma_start3A_100 = tpu.memref_squeeze %dma_start3A_99 : memref<1x32x1024xf32, #tpu.memory_space<vmem>> -> memref<32x1024xf32, #tpu.memory_space<vmem>>
      %dma_start3A_101 = arith.constant 0 : i32
      %dma_start3A_102 = tpu.memref_slice %arg2[%add3A_94, %dma_start3A_101] : memref<8192x1024xf32, #tpu.memory_space<hbm>> -> memref<32x1024xf32, #tpu.memory_space<hbm>>
      %dma_start3A_103 = tpu.memref_slice %run_scoped3A_0[%dma_start3A_96] : memref<2x!tpu.dma_semaphore, #tpu.memory_space<semaphore_mem>> -> memref<1x!tpu.dma_semaphore, #tpu.memory_space<semaphore_mem>>
      %dma_start3A_104 = tpu.memref_squeeze %dma_start3A_103 : memref<1x!tpu.dma_semaphore, #tpu.memory_space<semaphore_mem>> -> memref<!tpu.dma_semaphore, #tpu.memory_space<semaphore_mem>>
      %dma_start3A_105 = arith.constant 0 : i32
      %dma_start3A_106 = arith.constant 0 : i32
      %dma_start3A_107 = tpu.memref_slice %run_scoped3A[%dma_start3A_95, %dma_start3A_105, %dma_start3A_106] : memref<2x32x1024xf32, #tpu.memory_space<vmem>> -> memref<1x32x1024xf32, #tpu.memory_space<vmem>>
      %dma_start3A_108 = tpu.memref_squeeze %dma_start3A_107 : memref<1x32x1024xf32, #tpu.memory_space<vmem>> -> memref<32x1024xf32, #tpu.memory_space<vmem>>
      %dma_start3A_109 = arith.constant 0 : i32
      %dma_start3A_110 = tpu.memref_slice %arg2[%add3A_94, %dma_start3A_109] : memref<8192x1024xf32, #tpu.memory_space<hbm>> -> memref<32x1024xf32, #tpu.memory_space<hbm>>
      tpu.enqueue_dma source(%dma_start3A_110 : memref<32x1024xf32, #tpu.memory_space<hbm>>) target(%dma_start3A_108 : memref<32x1024xf32, #tpu.memory_space<vmem>>) target_semaphore(%dma_start3A_104 : memref<!tpu.dma_semaphore, #tpu.memory_space<semaphore_mem>>)
      %add3A_111 = arith.constant 32 : i32
      %add3A_112 = arith.addi %mul3A_4, %add3A_111 : i32
      %dma_wait3A_113 = arith.constant 1 : i32
      %dma_wait3A_114 = arith.constant 1 : i32
      %dma_wait3A_115 = arith.constant 0 : i32
      %dma_wait3A_116 = arith.constant 0 : i32
      %dma_wait3A_117 = tpu.memref_slice %run_scoped3A[%dma_wait3A_113, %dma_wait3A_115, %dma_wait3A_116] : memref<2x32x1024xf32, #tpu.memory_space<vmem>> -> memref<1x32x1024xf32, #tpu.memory_space<vmem>>
      %dma_wait3A_118 = tpu.memref_squeeze %dma_wait3A_117 : memref<1x32x1024xf32, #tpu.memory_space<vmem>> -> memref<32x1024xf32, #tpu.memory_space<vmem>>
      %dma_wait3A_119 = arith.constant 0 : i32
      %dma_wait3A_120 = tpu.memref_slice %arg2[%add3A_112, %dma_wait3A_119] : memref<8192x1024xf32, #tpu.memory_space<hbm>> -> memref<32x1024xf32, #tpu.memory_space<hbm>>
      %dma_wait3A_121 = tpu.memref_slice %run_scoped3A_0[%dma_wait3A_114] : memref<2x!tpu.dma_semaphore, #tpu.memory_space<semaphore_mem>> -> memref<1x!tpu.dma_semaphore, #tpu.memory_space<semaphore_mem>>
      %dma_wait3A_122 = tpu.memref_squeeze %dma_wait3A_121 : memref<1x!tpu.dma_semaphore, #tpu.memory_space<semaphore_mem>> -> memref<!tpu.dma_semaphore, #tpu.memory_space<semaphore_mem>>
      %dma_wait3A_123 = arith.constant 0 : i32
      %dma_wait3A_124 = arith.constant 0 : i32
      %dma_wait3A_125 = tpu.memref_slice %run_scoped3A[%dma_wait3A_113, %dma_wait3A_123, %dma_wait3A_124] : memref<2x32x1024xf32, #tpu.memory_space<vmem>> -> memref<1x32x1024xf32, #tpu.memory_space<vmem>>
      %dma_wait3A_126 = tpu.memref_squeeze %dma_wait3A_125 : memref<1x32x1024xf32, #tpu.memory_space<vmem>> -> memref<32x1024xf32, #tpu.memory_space<vmem>>
      %dma_wait3A_127 = arith.constant 0 : i32
      %dma_wait3A_128 = tpu.memref_slice %arg2[%add3A_112, %dma_wait3A_127] : memref<8192x1024xf32, #tpu.memory_space<hbm>> -> memref<32x1024xf32, #tpu.memory_space<hbm>>
      tpu.wait_dma2 semaphore(%dma_wait3A_122 : memref<!tpu.dma_semaphore, #tpu.memory_space<semaphore_mem>>) src(%dma_wait3A_128 : memref<32x1024xf32, #tpu.memory_space<hbm>>) dst(%dma_wait3A_126 : memref<32x1024xf32, #tpu.memory_space<vmem>>)
      %add3A_129 = arith.constant 32 : i32
      %add3A_130 = arith.addi %mul3A_4, %add3A_129 : i32
      %dma_start3A_131 = arith.constant 1 : i32
      %dma_start3A_132 = arith.constant 1 : i32
      %dma_start3A_133 = arith.constant 0 : i32
      %dma_start3A_134 = arith.constant 0 : i32
      %dma_start3A_135 = tpu.memref_slice %run_scoped3A[%dma_start3A_131, %dma_start3A_133, %dma_start3A_134] : memref<2x32x1024xf32, #tpu.memory_space<vmem>> -> memref<1x32x1024xf32, #tpu.memory_space<vmem>>
      %dma_start3A_136 = tpu.memref_squeeze %dma_start3A_135 : memref<1x32x1024xf32, #tpu.memory_space<vmem>> -> memref<32x1024xf32, #tpu.memory_space<vmem>>
      %dma_start3A_137 = arith.constant 0 : i32
      %dma_start3A_138 = tpu.memref_slice %arg3[%add3A_130, %dma_start3A_137] : memref<8192x1024xf32, #tpu.memory_space<hbm>> -> memref<32x1024xf32, #tpu.memory_space<hbm>>
      %dma_start3A_139 = tpu.memref_slice %run_scoped3A_1[%dma_start3A_132] : memref<2x!tpu.dma_semaphore, #tpu.memory_space<semaphore_mem>> -> memref<1x!tpu.dma_semaphore, #tpu.memory_space<semaphore_mem>>
      %dma_start3A_140 = tpu.memref_squeeze %dma_start3A_139 : memref<1x!tpu.dma_semaphore, #tpu.memory_space<semaphore_mem>> -> memref<!tpu.dma_semaphore, #tpu.memory_space<semaphore_mem>>
      %dma_start3A_141 = arith.constant 0 : i32
      %dma_start3A_142 = tpu.memref_slice %arg3[%add3A_130, %dma_start3A_141] : memref<8192x1024xf32, #tpu.memory_space<hbm>> -> memref<32x1024xf32, #tpu.memory_space<hbm>>
      %dma_start3A_143 = arith.constant 0 : i32
      %dma_start3A_144 = arith.constant 0 : i32
      %dma_start3A_145 = tpu.memref_slice %run_scoped3A[%dma_start3A_131, %dma_start3A_143, %dma_start3A_144] : memref<2x32x1024xf32, #tpu.memory_space<vmem>> -> memref<1x32x1024xf32, #tpu.memory_space<vmem>>
      %dma_start3A_146 = tpu.memref_squeeze %dma_start3A_145 : memref<1x32x1024xf32, #tpu.memory_space<vmem>> -> memref<32x1024xf32, #tpu.memory_space<vmem>>
      tpu.enqueue_dma source(%dma_start3A_146 : memref<32x1024xf32, #tpu.memory_space<vmem>>) target(%dma_start3A_142 : memref<32x1024xf32, #tpu.memory_space<hbm>>) target_semaphore(%dma_start3A_140 : memref<!tpu.dma_semaphore, #tpu.memory_space<semaphore_mem>>)
      %add3A_147 = arith.constant 32 : i32
      %add3A_148 = arith.addi %mul3A_4, %add3A_147 : i32
      %dma_wait3A_149 = arith.constant 1 : i32
      %dma_wait3A_150 = arith.constant 1 : i32
      %dma_wait3A_151 = arith.constant 0 : i32
      %dma_wait3A_152 = arith.constant 0 : i32
      %dma_wait3A_153 = tpu.memref_slice %run_scoped3A[%dma_wait3A_149, %dma_wait3A_151, %dma_wait3A_152] : memref<2x32x1024xf32, #tpu.memory_space<vmem>> -> memref<1x32x1024xf32, #tpu.memory_space<vmem>>
      %dma_wait3A_154 = tpu.memref_squeeze %dma_wait3A_153 : memref<1x32x1024xf32, #tpu.memory_space<vmem>> -> memref<32x1024xf32, #tpu.memory_space<vmem>>
      %dma_wait3A_155 = arith.constant 0 : i32
      %dma_wait3A_156 = tpu.memref_slice %arg3[%add3A_148, %dma_wait3A_155] : memref<8192x1024xf32, #tpu.memory_space<hbm>> -> memref<32x1024xf32, #tpu.memory_space<hbm>>
      %dma_wait3A_157 = tpu.memref_slice %run_scoped3A_1[%dma_wait3A_150] : memref<2x!tpu.dma_semaphore, #tpu.memory_space<semaphore_mem>> -> memref<1x!tpu.dma_semaphore, #tpu.memory_space<semaphore_mem>>
      %dma_wait3A_158 = tpu.memref_squeeze %dma_wait3A_157 : memref<1x!tpu.dma_semaphore, #tpu.memory_space<semaphore_mem>> -> memref<!tpu.dma_semaphore, #tpu.memory_space<semaphore_mem>>
      %dma_wait3A_159 = arith.constant 0 : i32
      %dma_wait3A_160 = tpu.memref_slice %arg3[%add3A_148, %dma_wait3A_159] : memref<8192x1024xf32, #tpu.memory_space<hbm>> -> memref<32x1024xf32, #tpu.memory_space<hbm>>
      %dma_wait3A_161 = arith.constant 0 : i32
      %dma_wait3A_162 = arith.constant 0 : i32
      %dma_wait3A_163 = tpu.memref_slice %run_scoped3A[%dma_wait3A_149, %dma_wait3A_161, %dma_wait3A_162] : memref<2x32x1024xf32, #tpu.memory_space<vmem>> -> memref<1x32x1024xf32, #tpu.memory_space<vmem>>
      %dma_wait3A_164 = tpu.memref_squeeze %dma_wait3A_163 : memref<1x32x1024xf32, #tpu.memory_space<vmem>> -> memref<32x1024xf32, #tpu.memory_space<vmem>>
      tpu.wait_dma2 semaphore(%dma_wait3A_158 : memref<!tpu.dma_semaphore, #tpu.memory_space<semaphore_mem>>) src(%dma_wait3A_164 : memref<32x1024xf32, #tpu.memory_space<vmem>>) dst(%dma_wait3A_160 : memref<32x1024xf32, #tpu.memory_space<hbm>>)
      %add3A_165 = arith.constant 96 : i32
      %add3A_166 = arith.addi %mul3A_4, %add3A_165 : i32
      %dma_start3A_167 = arith.constant 1 : i32
      %dma_start3A_168 = arith.constant 1 : i32
      %dma_start3A_169 = arith.constant 0 : i32
      %dma_start3A_170 = arith.constant 0 : i32
      %dma_start3A_171 = tpu.memref_slice %run_scoped3A[%dma_start3A_167, %dma_start3A_169, %dma_start3A_170] : memref<2x32x1024xf32, #tpu.memory_space<vmem>> -> memref<1x32x1024xf32, #tpu.memory_space<vmem>>
      %dma_start3A_172 = tpu.memref_squeeze %dma_start3A_171 : memref<1x32x1024xf32, #tpu.memory_space<vmem>> -> memref<32x1024xf32, #tpu.memory_space<vmem>>
      %dma_start3A_173 = arith.constant 0 : i32
      %dma_start3A_174 = tpu.memref_slice %arg2[%add3A_166, %dma_start3A_173] : memref<8192x1024xf32, #tpu.memory_space<hbm>> -> memref<32x1024xf32, #tpu.memory_space<hbm>>
      %dma_start3A_175 = tpu.memref_slice %run_scoped3A_0[%dma_start3A_168] : memref<2x!tpu.dma_semaphore, #tpu.memory_space<semaphore_mem>> -> memref<1x!tpu.dma_semaphore, #tpu.memory_space<semaphore_mem>>
      %dma_start3A_176 = tpu.memref_squeeze %dma_start3A_175 : memref<1x!tpu.dma_semaphore, #tpu.memory_space<semaphore_mem>> -> memref<!tpu.dma_semaphore, #tpu.memory_space<semaphore_mem>>
      %dma_start3A_177 = arith.constant 0 : i32
      %dma_start3A_178 = arith.constant 0 : i32
      %dma_start3A_179 = tpu.memref_slice %run_scoped3A[%dma_start3A_167, %dma_start3A_177, %dma_start3A_178] : memref<2x32x1024xf32, #tpu.memory_space<vmem>> -> memref<1x32x1024xf32, #tpu.memory_space<vmem>>
      %dma_start3A_180 = tpu.memref_squeeze %dma_start3A_179 : memref<1x32x1024xf32, #tpu.memory_space<vmem>> -> memref<32x1024xf32, #tpu.memory_space<vmem>>
      %dma_start3A_181 = arith.constant 0 : i32
      %dma_start3A_182 = tpu.memref_slice %arg2[%add3A_166, %dma_start3A_181] : memref<8192x1024xf32, #tpu.memory_space<hbm>> -> memref<32x1024xf32, #tpu.memory_space<hbm>>
      tpu.enqueue_dma source(%dma_start3A_182 : memref<32x1024xf32, #tpu.memory_space<hbm>>) target(%dma_start3A_180 : memref<32x1024xf32, #tpu.memory_space<vmem>>) target_semaphore(%dma_start3A_176 : memref<!tpu.dma_semaphore, #tpu.memory_space<semaphore_mem>>)
      %add3A_183 = arith.constant 64 : i32
      %add3A_184 = arith.addi %mul3A_4, %add3A_183 : i32
      %dma_wait3A_185 = arith.constant 0 : i32
      %dma_wait3A_186 = arith.constant 0 : i32
      %dma_wait3A_187 = arith.constant 0 : i32
      %dma_wait3A_188 = arith.constant 0 : i32
      %dma_wait3A_189 = tpu.memref_slice %run_scoped3A[%dma_wait3A_185, %dma_wait3A_187, %dma_wait3A_188] : memref<2x32x1024xf32, #tpu.memory_space<vmem>> -> memref<1x32x1024xf32, #tpu.memory_space<vmem>>
      %dma_wait3A_190 = tpu.memref_squeeze %dma_wait3A_189 : memref<1x32x1024xf32, #tpu.memory_space<vmem>> -> memref<32x1024xf32, #tpu.memory_space<vmem>>
      %dma_wait3A_191 = arith.constant 0 : i32
      %dma_wait3A_192 = tpu.memref_slice %arg2[%add3A_184, %dma_wait3A_191] : memref<8192x1024xf32, #tpu.memory_space<hbm>> -> memref<32x1024xf32, #tpu.memory_space<hbm>>
      %dma_wait3A_193 = tpu.memref_slice %run_scoped3A_0[%dma_wait3A_186] : memref<2x!tpu.dma_semaphore, #tpu.memory_space<semaphore_mem>> -> memref<1x!tpu.dma_semaphore, #tpu.memory_space<semaphore_mem>>
      %dma_wait3A_194 = tpu.memref_squeeze %dma_wait3A_193 : memref<1x!tpu.dma_semaphore, #tpu.memory_space<semaphore_mem>> -> memref<!tpu.dma_semaphore, #tpu.memory_space<semaphore_mem>>
      %dma_wait3A_195 = arith.constant 0 : i32
      %dma_wait3A_196 = arith.constant 0 : i32
      %dma_wait3A_197 = tpu.memref_slice %run_scoped3A[%dma_wait3A_185, %dma_wait3A_195, %dma_wait3A_196] : memref<2x32x1024xf32, #tpu.memory_space<vmem>> -> memref<1x32x1024xf32, #tpu.memory_space<vmem>>
      %dma_wait3A_198 = tpu.memref_squeeze %dma_wait3A_197 : memref<1x32x1024xf32, #tpu.memory_space<vmem>> -> memref<32x1024xf32, #tpu.memory_space<vmem>>
      %dma_wait3A_199 = arith.constant 0 : i32
      %dma_wait3A_200 = tpu.memref_slice %arg2[%add3A_184, %dma_wait3A_199] : memref<8192x1024xf32, #tpu.memory_space<hbm>> -> memref<32x1024xf32, #tpu.memory_space<hbm>>
      tpu.wait_dma2 semaphore(%dma_wait3A_194 : memref<!tpu.dma_semaphore, #tpu.memory_space<semaphore_mem>>) src(%dma_wait3A_200 : memref<32x1024xf32, #tpu.memory_space<hbm>>) dst(%dma_wait3A_198 : memref<32x1024xf32, #tpu.memory_space<vmem>>)
      %add3A_201 = arith.constant 64 : i32
      %add3A_202 = arith.addi %mul3A_4, %add3A_201 : i32
      %dma_start3A_203 = arith.constant 0 : i32
      %dma_start3A_204 = arith.constant 0 : i32
      %dma_start3A_205 = arith.constant 0 : i32
      %dma_start3A_206 = arith.constant 0 : i32
      %dma_start3A_207 = tpu.memref_slice %run_scoped3A[%dma_start3A_203, %dma_start3A_205, %dma_start3A_206] : memref<2x32x1024xf32, #tpu.memory_space<vmem>> -> memref<1x32x1024xf32, #tpu.memory_space<vmem>>
      %dma_start3A_208 = tpu.memref_squeeze %dma_start3A_207 : memref<1x32x1024xf32, #tpu.memory_space<vmem>> -> memref<32x1024xf32, #tpu.memory_space<vmem>>
      %dma_start3A_209 = arith.constant 0 : i32
      %dma_start3A_210 = tpu.memref_slice %arg3[%add3A_202, %dma_start3A_209] : memref<8192x1024xf32, #tpu.memory_space<hbm>> -> memref<32x1024xf32, #tpu.memory_space<hbm>>
      %dma_start3A_211 = tpu.memref_slice %run_scoped3A_1[%dma_start3A_204] : memref<2x!tpu.dma_semaphore, #tpu.memory_space<semaphore_mem>> -> memref<1x!tpu.dma_semaphore, #tpu.memory_space<semaphore_mem>>
      %dma_start3A_212 = tpu.memref_squeeze %dma_start3A_211 : memref<1x!tpu.dma_semaphore, #tpu.memory_space<semaphore_mem>> -> memref<!tpu.dma_semaphore, #tpu.memory_space<semaphore_mem>>
      %dma_start3A_213 = arith.constant 0 : i32
      %dma_start3A_214 = tpu.memref_slice %arg3[%add3A_202, %dma_start3A_213] : memref<8192x1024xf32, #tpu.memory_space<hbm>> -> memref<32x1024xf32, #tpu.memory_space<hbm>>
      %dma_start3A_215 = arith.constant 0 : i32
      %dma_start3A_216 = arith.constant 0 : i32
      %dma_start3A_217 = tpu.memref_slice %run_scoped3A[%dma_start3A_203, %dma_start3A_215, %dma_start3A_216] : memref<2x32x1024xf32, #tpu.memory_space<vmem>> -> memref<1x32x1024xf32, #tpu.memory_space<vmem>>
      %dma_start3A_218 = tpu.memref_squeeze %dma_start3A_217 : memref<1x32x1024xf32, #tpu.memory_space<vmem>> -> memref<32x1024xf32, #tpu.memory_space<vmem>>
      tpu.enqueue_dma source(%dma_start3A_218 : memref<32x1024xf32, #tpu.memory_space<vmem>>) target(%dma_start3A_214 : memref<32x1024xf32, #tpu.memory_space<hbm>>) target_semaphore(%dma_start3A_212 : memref<!tpu.dma_semaphore, #tpu.memory_space<semaphore_mem>>)
      %add3A_219 = arith.constant 96 : i32
      %add3A_220 = arith.addi %mul3A_4, %add3A_219 : i32
      %dma_wait3A_221 = arith.constant 1 : i32
      %dma_wait3A_222 = arith.constant 1 : i32
      %dma_wait3A_223 = arith.constant 0 : i32
      %dma_wait3A_224 = arith.constant 0 : i32
      %dma_wait3A_225 = tpu.memref_slice %run_scoped3A[%dma_wait3A_221, %dma_wait3A_223, %dma_wait3A_224] : memref<2x32x1024xf32, #tpu.memory_space<vmem>> -> memref<1x32x1024xf32, #tpu.memory_space<vmem>>
      %dma_wait3A_226 = tpu.memref_squeeze %dma_wait3A_225 : memref<1x32x1024xf32, #tpu.memory_space<vmem>> -> memref<32x1024xf32, #tpu.memory_space<vmem>>
      %dma_wait3A_227 = arith.constant 0 : i32
      %dma_wait3A_228 = tpu.memref_slice %arg2[%add3A_220, %dma_wait3A_227] : memref<8192x1024xf32, #tpu.memory_space<hbm>> -> memref<32x1024xf32, #tpu.memory_space<hbm>>
      %dma_wait3A_229 = tpu.memref_slice %run_scoped3A_0[%dma_wait3A_222] : memref<2x!tpu.dma_semaphore, #tpu.memory_space<semaphore_mem>> -> memref<1x!tpu.dma_semaphore, #tpu.memory_space<semaphore_mem>>
      %dma_wait3A_230 = tpu.memref_squeeze %dma_wait3A_229 : memref<1x!tpu.dma_semaphore, #tpu.memory_space<semaphore_mem>> -> memref<!tpu.dma_semaphore, #tpu.memory_space<semaphore_mem>>
      %dma_wait3A_231 = arith.constant 0 : i32
      %dma_wait3A_232 = arith.constant 0 : i32
      %dma_wait3A_233 = tpu.memref_slice %run_scoped3A[%dma_wait3A_221, %dma_wait3A_231, %dma_wait3A_232] : memref<2x32x1024xf32, #tpu.memory_space<vmem>> -> memref<1x32x1024xf32, #tpu.memory_space<vmem>>
      %dma_wait3A_234 = tpu.memref_squeeze %dma_wait3A_233 : memref<1x32x1024xf32, #tpu.memory_space<vmem>> -> memref<32x1024xf32, #tpu.memory_space<vmem>>
      %dma_wait3A_235 = arith.constant 0 : i32
      %dma_wait3A_236 = tpu.memref_slice %arg2[%add3A_220, %dma_wait3A_235] : memref<8192x1024xf32, #tpu.memory_space<hbm>> -> memref<32x1024xf32, #tpu.memory_space<hbm>>
      tpu.wait_dma2 semaphore(%dma_wait3A_230 : memref<!tpu.dma_semaphore, #tpu.memory_space<semaphore_mem>>) src(%dma_wait3A_236 : memref<32x1024xf32, #tpu.memory_space<hbm>>) dst(%dma_wait3A_234 : memref<32x1024xf32, #tpu.memory_space<vmem>>)
      %add3A_237 = arith.constant 96 : i32
      %add3A_238 = arith.addi %mul3A_4, %add3A_237 : i32
      %dma_start3A_239 = arith.constant 1 : i32
      %dma_start3A_240 = arith.constant 1 : i32
      %dma_start3A_241 = arith.constant 0 : i32
      %dma_start3A_242 = arith.constant 0 : i32
      %dma_start3A_243 = tpu.memref_slice %run_scoped3A[%dma_start3A_239, %dma_start3A_241, %dma_start3A_242] : memref<2x32x1024xf32, #tpu.memory_space<vmem>> -> memref<1x32x1024xf32, #tpu.memory_space<vmem>>
      %dma_start3A_244 = tpu.memref_squeeze %dma_start3A_243 : memref<1x32x1024xf32, #tpu.memory_space<vmem>> -> memref<32x1024xf32, #tpu.memory_space<vmem>>
      %dma_start3A_245 = arith.constant 0 : i32
      %dma_start3A_246 = tpu.memref_slice %arg3[%add3A_238, %dma_start3A_245] : memref<8192x1024xf32, #tpu.memory_space<hbm>> -> memref<32x1024xf32, #tpu.memory_space<hbm>>
      %dma_start3A_247 = tpu.memref_slice %run_scoped3A_1[%dma_start3A_240] : memref<2x!tpu.dma_semaphore, #tpu.memory_space<semaphore_mem>> -> memref<1x!tpu.dma_semaphore, #tpu.memory_space<semaphore_mem>>
      %dma_start3A_248 = tpu.memref_squeeze %dma_start3A_247 : memref<1x!tpu.dma_semaphore, #tpu.memory_space<semaphore_mem>> -> memref<!tpu.dma_semaphore, #tpu.memory_space<semaphore_mem>>
      %dma_start3A_249 = arith.constant 0 : i32
      %dma_start3A_250 = tpu.memref_slice %arg3[%add3A_238, %dma_start3A_249] : memref<8192x1024xf32, #tpu.memory_space<hbm>> -> memref<32x1024xf32, #tpu.memory_space<hbm>>
      %dma_start3A_251 = arith.constant 0 : i32
      %dma_start3A_252 = arith.constant 0 : i32
      %dma_start3A_253 = tpu.memref_slice %run_scoped3A[%dma_start3A_239, %dma_start3A_251, %dma_start3A_252] : memref<2x32x1024xf32, #tpu.memory_space<vmem>> -> memref<1x32x1024xf32, #tpu.memory_space<vmem>>
      %dma_start3A_254 = tpu.memref_squeeze %dma_start3A_253 : memref<1x32x1024xf32, #tpu.memory_space<vmem>> -> memref<32x1024xf32, #tpu.memory_space<vmem>>
      tpu.enqueue_dma source(%dma_start3A_254 : memref<32x1024xf32, #tpu.memory_space<vmem>>) target(%dma_start3A_250 : memref<32x1024xf32, #tpu.memory_space<hbm>>) target_semaphore(%dma_start3A_248 : memref<!tpu.dma_semaphore, #tpu.memory_space<semaphore_mem>>)
      %add3A_255 = arith.constant 64 : i32
      %add3A_256 = arith.addi %mul3A_4, %add3A_255 : i32
      %dma_wait3A_257 = arith.constant 0 : i32
      %dma_wait3A_258 = arith.constant 0 : i32
      %dma_wait3A_259 = arith.constant 0 : i32
      %dma_wait3A_260 = arith.constant 0 : i32
      %dma_wait3A_261 = tpu.memref_slice %run_scoped3A[%dma_wait3A_257, %dma_wait3A_259, %dma_wait3A_260] : memref<2x32x1024xf32, #tpu.memory_space<vmem>> -> memref<1x32x1024xf32, #tpu.memory_space<vmem>>
      %dma_wait3A_262 = tpu.memref_squeeze %dma_wait3A_261 : memref<1x32x1024xf32, #tpu.memory_space<vmem>> -> memref<32x1024xf32, #tpu.memory_space<vmem>>
      %dma_wait3A_263 = arith.constant 0 : i32
      %dma_wait3A_264 = tpu.memref_slice %arg3[%add3A_256, %dma_wait3A_263] : memref<8192x1024xf32, #tpu.memory_space<hbm>> -> memref<32x1024xf32, #tpu.memory_space<hbm>>
      %dma_wait3A_265 = tpu.memref_slice %run_scoped3A_1[%dma_wait3A_258] : memref<2x!tpu.dma_semaphore, #tpu.memory_space<semaphore_mem>> -> memref<1x!tpu.dma_semaphore, #tpu.memory_space<semaphore_mem>>
      %dma_wait3A_266 = tpu.memref_squeeze %dma_wait3A_265 : memref<1x!tpu.dma_semaphore, #tpu.memory_space<semaphore_mem>> -> memref<!tpu.dma_semaphore, #tpu.memory_space<semaphore_mem>>
      %dma_wait3A_267 = arith.constant 0 : i32
      %dma_wait3A_268 = tpu.memref_slice %arg3[%add3A_256, %dma_wait3A_267] : memref<8192x1024xf32, #tpu.memory_space<hbm>> -> memref<32x1024xf32, #tpu.memory_space<hbm>>
      %dma_wait3A_269 = arith.constant 0 : i32
      %dma_wait3A_270 = arith.constant 0 : i32
      %dma_wait3A_271 = tpu.memref_slice %run_scoped3A[%dma_wait3A_257, %dma_wait3A_269, %dma_wait3A_270] : memref<2x32x1024xf32, #tpu.memory_space<vmem>> -> memref<1x32x1024xf32, #tpu.memory_space<vmem>>
      %dma_wait3A_272 = tpu.memref_squeeze %dma_wait3A_271 : memref<1x32x1024xf32, #tpu.memory_space<vmem>> -> memref<32x1024xf32, #tpu.memory_space<vmem>>
      tpu.wait_dma2 semaphore(%dma_wait3A_266 : memref<!tpu.dma_semaphore, #tpu.memory_space<semaphore_mem>>) src(%dma_wait3A_272 : memref<32x1024xf32, #tpu.memory_space<vmem>>) dst(%dma_wait3A_268 : memref<32x1024xf32, #tpu.memory_space<hbm>>)
      %add3A_273 = arith.constant 96 : i32
      %add3A_274 = arith.addi %mul3A_4, %add3A_273 : i32
      %dma_wait3A_275 = arith.constant 1 : i32
      %dma_wait3A_276 = arith.constant 1 : i32
      %dma_wait3A_277 = arith.constant 0 : i32
      %dma_wait3A_278 = arith.constant 0 : i32
      %dma_wait3A_279 = tpu.memref_slice %run_scoped3A[%dma_wait3A_275, %dma_wait3A_277, %dma_wait3A_278] : memref<2x32x1024xf32, #tpu.memory_space<vmem>> -> memref<1x32x1024xf32, #tpu.memory_space<vmem>>
      %dma_wait3A_280 = tpu.memref_squeeze %dma_wait3A_279 : memref<1x32x1024xf32, #tpu.memory_space<vmem>> -> memref<32x1024xf32, #tpu.memory_space<vmem>>
      %dma_wait3A_281 = arith.constant 0 : i32
      %dma_wait3A_282 = tpu.memref_slice %arg3[%add3A_274, %dma_wait3A_281] : memref<8192x1024xf32, #tpu.memory_space<hbm>> -> memref<32x1024xf32, #tpu.memory_space<hbm>>
      %dma_wait3A_283 = tpu.memref_slice %run_scoped3A_1[%dma_wait3A_276] : memref<2x!tpu.dma_semaphore, #tpu.memory_space<semaphore_mem>> -> memref<1x!tpu.dma_semaphore, #tpu.memory_space<semaphore_mem>>
      %dma_wait3A_284 = tpu.memref_squeeze %dma_wait3A_283 : memref<1x!tpu.dma_semaphore, #tpu.memory_space<semaphore_mem>> -> memref<!tpu.dma_semaphore, #tpu.memory_space<semaphore_mem>>
      %dma_wait3A_285 = arith.constant 0 : i32
      %dma_wait3A_286 = tpu.memref_slice %arg3[%add3A_274, %dma_wait3A_285] : memref<8192x1024xf32, #tpu.memory_space<hbm>> -> memref<32x1024xf32, #tpu.memory_space<hbm>>
      %dma_wait3A_287 = arith.constant 0 : i32
      %dma_wait3A_288 = arith.constant 0 : i32
      %dma_wait3A_289 = tpu.memref_slice %run_scoped3A[%dma_wait3A_275, %dma_wait3A_287, %dma_wait3A_288] : memref<2x32x1024xf32, #tpu.memory_space<vmem>> -> memref<1x32x1024xf32, #tpu.memory_space<vmem>>
      %dma_wait3A_290 = tpu.memref_squeeze %dma_wait3A_289 : memref<1x32x1024xf32, #tpu.memory_space<vmem>> -> memref<32x1024xf32, #tpu.memory_space<vmem>>
      tpu.wait_dma2 semaphore(%dma_wait3A_284 : memref<!tpu.dma_semaphore, #tpu.memory_space<semaphore_mem>>) src(%dma_wait3A_290 : memref<32x1024xf32, #tpu.memory_space<vmem>>) dst(%dma_wait3A_286 : memref<32x1024xf32, #tpu.memory_space<hbm>>)
      tpu.yield
    }) : () -> ()
    return
  }
  func.func @_scs_fn(%arg0: i32, %arg1: memref<8192x1024xf32, #tpu.memory_space<hbm>>, %arg2: memref<8192x1024xf32, #tpu.memory_space<hbm>>, %arg3: memref<2x512x1024xf32, #tpu.memory_space<vmem_shared>>) attributes {dimension_semantics = [#tpu.dimension_semantics<core_parallel>], iteration_bounds = array<i64: 2>, scalar_prefetch = 0 : i64, scratch_operands = 1 : i64, tpu.core_type = #tpu.core_type<sc_scalar_subcore>, window_params = [{transform_indices = #map1}, {transform_indices = #map1}]} {
    "tpu.region"() ({
      %run_scoped3A = tpu.sem_alloc : memref<2x!tpu.dma_semaphore, #tpu.memory_space<semaphore_mem>>
      %run_scoped3A_0 = tpu.sem_alloc : memref<2x!tpu.dma_semaphore, #tpu.memory_space<semaphore_mem>>
      %mul3A = arith.constant 2048 : i32
      %mul3A_1 = arith.muli %arg0, %mul3A : i32
      %add3A = arith.constant 4096 : i32
      %add3A_2 = arith.addi %add3A, %mul3A_1 : i32
      %add3A_3 = arith.constant 0 : i32
      %add3A_4 = arith.addi %add3A_2, %add3A_3 : i32
      %dma_start3A = arith.constant 0 : i32
      %dma_start3A_5 = arith.constant 0 : i32
      %dma_start3A_6 = tpu.memref_slice %run_scoped3A[%dma_start3A_5] : memref<2x!tpu.dma_semaphore, #tpu.memory_space<semaphore_mem>> -> memref<1x!tpu.dma_semaphore, #tpu.memory_space<semaphore_mem>>
      %dma_start3A_7 = tpu.memref_squeeze %dma_start3A_6 : memref<1x!tpu.dma_semaphore, #tpu.memory_space<semaphore_mem>> -> memref<!tpu.dma_semaphore, #tpu.memory_space<semaphore_mem>>
      %dma_start3A_8 = arith.constant 0 : i32
      %dma_start3A_9 = arith.constant 0 : i32
      %dma_start3A_10 = tpu.memref_slice %arg3[%dma_start3A, %dma_start3A_8, %dma_start3A_9] : memref<2x512x1024xf32, #tpu.memory_space<vmem_shared>> -> memref<1x512x1024xf32, #tpu.memory_space<vmem_shared>>
      %dma_start3A_11 = tpu.memref_squeeze %dma_start3A_10 : memref<1x512x1024xf32, #tpu.memory_space<vmem_shared>> -> memref<512x1024xf32, #tpu.memory_space<vmem_shared>>
      %dma_start3A_12 = arith.constant 0 : i32
      %dma_start3A_13 = tpu.memref_slice %arg1[%add3A_4, %dma_start3A_12] : memref<8192x1024xf32, #tpu.memory_space<hbm>> -> memref<512x1024xf32, #tpu.memory_space<hbm>>
      tpu.enqueue_dma source(%dma_start3A_13 : memref<512x1024xf32, #tpu.memory_space<hbm>>) target(%dma_start3A_11 : memref<512x1024xf32, #tpu.memory_space<vmem_shared>>) target_semaphore(%dma_start3A_7 : memref<!tpu.dma_semaphore, #tpu.memory_space<semaphore_mem>>)
      %add3A_14 = arith.constant 512 : i32
      %add3A_15 = arith.addi %add3A_2, %add3A_14 : i32
      %dma_start3A_16 = arith.constant 1 : i32
      %dma_start3A_17 = arith.constant 1 : i32
      %dma_start3A_18 = tpu.memref_slice %run_scoped3A[%dma_start3A_17] : memref<2x!tpu.dma_semaphore, #tpu.memory_space<semaphore_mem>> -> memref<1x!tpu.dma_semaphore, #tpu.memory_space<semaphore_mem>>
      %dma_start3A_19 = tpu.memref_squeeze %dma_start3A_18 : memref<1x!tpu.dma_semaphore, #tpu.memory_space<semaphore_mem>> -> memref<!tpu.dma_semaphore, #tpu.memory_space<semaphore_mem>>
      %dma_start3A_20 = arith.constant 0 : i32
      %dma_start3A_21 = arith.constant 0 : i32
      %dma_start3A_22 = tpu.memref_slice %arg3[%dma_start3A_16, %dma_start3A_20, %dma_start3A_21] : memref<2x512x1024xf32, #tpu.memory_space<vmem_shared>> -> memref<1x512x1024xf32, #tpu.memory_space<vmem_shared>>
      %dma_start3A_23 = tpu.memref_squeeze %dma_start3A_22 : memref<1x512x1024xf32, #tpu.memory_space<vmem_shared>> -> memref<512x1024xf32, #tpu.memory_space<vmem_shared>>
      %dma_start3A_24 = arith.constant 0 : i32
      %dma_start3A_25 = tpu.memref_slice %arg1[%add3A_15, %dma_start3A_24] : memref<8192x1024xf32, #tpu.memory_space<hbm>> -> memref<512x1024xf32, #tpu.memory_space<hbm>>
      tpu.enqueue_dma source(%dma_start3A_25 : memref<512x1024xf32, #tpu.memory_space<hbm>>) target(%dma_start3A_23 : memref<512x1024xf32, #tpu.memory_space<vmem_shared>>) target_semaphore(%dma_start3A_19 : memref<!tpu.dma_semaphore, #tpu.memory_space<semaphore_mem>>)
      %add3A_26 = arith.constant 0 : i32
      %add3A_27 = arith.addi %add3A_2, %add3A_26 : i32
      %dma_wait3A = arith.constant 0 : i32
      %dma_wait3A_28 = arith.constant 0 : i32
      %dma_wait3A_29 = tpu.memref_slice %run_scoped3A[%dma_wait3A_28] : memref<2x!tpu.dma_semaphore, #tpu.memory_space<semaphore_mem>> -> memref<1x!tpu.dma_semaphore, #tpu.memory_space<semaphore_mem>>
      %dma_wait3A_30 = tpu.memref_squeeze %dma_wait3A_29 : memref<1x!tpu.dma_semaphore, #tpu.memory_space<semaphore_mem>> -> memref<!tpu.dma_semaphore, #tpu.memory_space<semaphore_mem>>
      %dma_wait3A_31 = arith.constant 0 : i32
      %dma_wait3A_32 = arith.constant 0 : i32
      %dma_wait3A_33 = tpu.memref_slice %arg3[%dma_wait3A, %dma_wait3A_31, %dma_wait3A_32] : memref<2x512x1024xf32, #tpu.memory_space<vmem_shared>> -> memref<1x512x1024xf32, #tpu.memory_space<vmem_shared>>
      %dma_wait3A_34 = tpu.memref_squeeze %dma_wait3A_33 : memref<1x512x1024xf32, #tpu.memory_space<vmem_shared>> -> memref<512x1024xf32, #tpu.memory_space<vmem_shared>>
      %dma_wait3A_35 = arith.constant 0 : i32
      %dma_wait3A_36 = tpu.memref_slice %arg1[%add3A_27, %dma_wait3A_35] : memref<8192x1024xf32, #tpu.memory_space<hbm>> -> memref<512x1024xf32, #tpu.memory_space<hbm>>
      tpu.wait_dma2 semaphore(%dma_wait3A_30 : memref<!tpu.dma_semaphore, #tpu.memory_space<semaphore_mem>>) src(%dma_wait3A_36 : memref<512x1024xf32, #tpu.memory_space<hbm>>) dst(%dma_wait3A_34 : memref<512x1024xf32, #tpu.memory_space<vmem_shared>>)
      %add3A_37 = arith.constant 0 : i32
      %add3A_38 = arith.addi %add3A_2, %add3A_37 : i32
      %dma_start3A_39 = arith.constant 0 : i32
      %dma_start3A_40 = arith.constant 0 : i32
      %dma_start3A_41 = tpu.memref_slice %run_scoped3A_0[%dma_start3A_40] : memref<2x!tpu.dma_semaphore, #tpu.memory_space<semaphore_mem>> -> memref<1x!tpu.dma_semaphore, #tpu.memory_space<semaphore_mem>>
      %dma_start3A_42 = tpu.memref_squeeze %dma_start3A_41 : memref<1x!tpu.dma_semaphore, #tpu.memory_space<semaphore_mem>> -> memref<!tpu.dma_semaphore, #tpu.memory_space<semaphore_mem>>
      %dma_start3A_43 = arith.constant 0 : i32
      %dma_start3A_44 = tpu.memref_slice %arg2[%add3A_38, %dma_start3A_43] : memref<8192x1024xf32, #tpu.memory_space<hbm>> -> memref<512x1024xf32, #tpu.memory_space<hbm>>
      %dma_start3A_45 = arith.constant 0 : i32
      %dma_start3A_46 = arith.constant 0 : i32
      %dma_start3A_47 = tpu.memref_slice %arg3[%dma_start3A_39, %dma_start3A_45, %dma_start3A_46] : memref<2x512x1024xf32, #tpu.memory_space<vmem_shared>> -> memref<1x512x1024xf32, #tpu.memory_space<vmem_shared>>
      %dma_start3A_48 = tpu.memref_squeeze %dma_start3A_47 : memref<1x512x1024xf32, #tpu.memory_space<vmem_shared>> -> memref<512x1024xf32, #tpu.memory_space<vmem_shared>>
      tpu.enqueue_dma source(%dma_start3A_48 : memref<512x1024xf32, #tpu.memory_space<vmem_shared>>) target(%dma_start3A_44 : memref<512x1024xf32, #tpu.memory_space<hbm>>) target_semaphore(%dma_start3A_42 : memref<!tpu.dma_semaphore, #tpu.memory_space<semaphore_mem>>)
      %add3A_49 = arith.constant 0 : i32
      %add3A_50 = arith.addi %add3A_2, %add3A_49 : i32
      %dma_wait3A_51 = arith.constant 0 : i32
      %dma_wait3A_52 = arith.constant 0 : i32
      %dma_wait3A_53 = tpu.memref_slice %run_scoped3A_0[%dma_wait3A_52] : memref<2x!tpu.dma_semaphore, #tpu.memory_space<semaphore_mem>> -> memref<1x!tpu.dma_semaphore, #tpu.memory_space<semaphore_mem>>
      %dma_wait3A_54 = tpu.memref_squeeze %dma_wait3A_53 : memref<1x!tpu.dma_semaphore, #tpu.memory_space<semaphore_mem>> -> memref<!tpu.dma_semaphore, #tpu.memory_space<semaphore_mem>>
      %dma_wait3A_55 = arith.constant 0 : i32
      %dma_wait3A_56 = tpu.memref_slice %arg2[%add3A_50, %dma_wait3A_55] : memref<8192x1024xf32, #tpu.memory_space<hbm>> -> memref<512x1024xf32, #tpu.memory_space<hbm>>
      %dma_wait3A_57 = arith.constant 0 : i32
      %dma_wait3A_58 = arith.constant 0 : i32
      %dma_wait3A_59 = tpu.memref_slice %arg3[%dma_wait3A_51, %dma_wait3A_57, %dma_wait3A_58] : memref<2x512x1024xf32, #tpu.memory_space<vmem_shared>> -> memref<1x512x1024xf32, #tpu.memory_space<vmem_shared>>
      %dma_wait3A_60 = tpu.memref_squeeze %dma_wait3A_59 : memref<1x512x1024xf32, #tpu.memory_space<vmem_shared>> -> memref<512x1024xf32, #tpu.memory_space<vmem_shared>>
      tpu.wait_dma2 semaphore(%dma_wait3A_54 : memref<!tpu.dma_semaphore, #tpu.memory_space<semaphore_mem>>) src(%dma_wait3A_60 : memref<512x1024xf32, #tpu.memory_space<vmem_shared>>) dst(%dma_wait3A_56 : memref<512x1024xf32, #tpu.memory_space<hbm>>)
      %add3A_61 = arith.constant 1024 : i32
      %add3A_62 = arith.addi %add3A_2, %add3A_61 : i32
      %dma_start3A_63 = arith.constant 0 : i32
      %dma_start3A_64 = arith.constant 0 : i32
      %dma_start3A_65 = tpu.memref_slice %run_scoped3A[%dma_start3A_64] : memref<2x!tpu.dma_semaphore, #tpu.memory_space<semaphore_mem>> -> memref<1x!tpu.dma_semaphore, #tpu.memory_space<semaphore_mem>>
      %dma_start3A_66 = tpu.memref_squeeze %dma_start3A_65 : memref<1x!tpu.dma_semaphore, #tpu.memory_space<semaphore_mem>> -> memref<!tpu.dma_semaphore, #tpu.memory_space<semaphore_mem>>
      %dma_start3A_67 = arith.constant 0 : i32
      %dma_start3A_68 = arith.constant 0 : i32
      %dma_start3A_69 = tpu.memref_slice %arg3[%dma_start3A_63, %dma_start3A_67, %dma_start3A_68] : memref<2x512x1024xf32, #tpu.memory_space<vmem_shared>> -> memref<1x512x1024xf32, #tpu.memory_space<vmem_shared>>
      %dma_start3A_70 = tpu.memref_squeeze %dma_start3A_69 : memref<1x512x1024xf32, #tpu.memory_space<vmem_shared>> -> memref<512x1024xf32, #tpu.memory_space<vmem_shared>>
      %dma_start3A_71 = arith.constant 0 : i32
      %dma_start3A_72 = tpu.memref_slice %arg1[%add3A_62, %dma_start3A_71] : memref<8192x1024xf32, #tpu.memory_space<hbm>> -> memref<512x1024xf32, #tpu.memory_space<hbm>>
      tpu.enqueue_dma source(%dma_start3A_72 : memref<512x1024xf32, #tpu.memory_space<hbm>>) target(%dma_start3A_70 : memref<512x1024xf32, #tpu.memory_space<vmem_shared>>) target_semaphore(%dma_start3A_66 : memref<!tpu.dma_semaphore, #tpu.memory_space<semaphore_mem>>)
      %add3A_73 = arith.constant 512 : i32
      %add3A_74 = arith.addi %add3A_2, %add3A_73 : i32
      %dma_wait3A_75 = arith.constant 1 : i32
      %dma_wait3A_76 = arith.constant 1 : i32
      %dma_wait3A_77 = tpu.memref_slice %run_scoped3A[%dma_wait3A_76] : memref<2x!tpu.dma_semaphore, #tpu.memory_space<semaphore_mem>> -> memref<1x!tpu.dma_semaphore, #tpu.memory_space<semaphore_mem>>
      %dma_wait3A_78 = tpu.memref_squeeze %dma_wait3A_77 : memref<1x!tpu.dma_semaphore, #tpu.memory_space<semaphore_mem>> -> memref<!tpu.dma_semaphore, #tpu.memory_space<semaphore_mem>>
      %dma_wait3A_79 = arith.constant 0 : i32
      %dma_wait3A_80 = arith.constant 0 : i32
      %dma_wait3A_81 = tpu.memref_slice %arg3[%dma_wait3A_75, %dma_wait3A_79, %dma_wait3A_80] : memref<2x512x1024xf32, #tpu.memory_space<vmem_shared>> -> memref<1x512x1024xf32, #tpu.memory_space<vmem_shared>>
      %dma_wait3A_82 = tpu.memref_squeeze %dma_wait3A_81 : memref<1x512x1024xf32, #tpu.memory_space<vmem_shared>> -> memref<512x1024xf32, #tpu.memory_space<vmem_shared>>
      %dma_wait3A_83 = arith.constant 0 : i32
      %dma_wait3A_84 = tpu.memref_slice %arg1[%add3A_74, %dma_wait3A_83] : memref<8192x1024xf32, #tpu.memory_space<hbm>> -> memref<512x1024xf32, #tpu.memory_space<hbm>>
      tpu.wait_dma2 semaphore(%dma_wait3A_78 : memref<!tpu.dma_semaphore, #tpu.memory_space<semaphore_mem>>) src(%dma_wait3A_84 : memref<512x1024xf32, #tpu.memory_space<hbm>>) dst(%dma_wait3A_82 : memref<512x1024xf32, #tpu.memory_space<vmem_shared>>)
      %add3A_85 = arith.constant 512 : i32
      %add3A_86 = arith.addi %add3A_2, %add3A_85 : i32
      %dma_start3A_87 = arith.constant 1 : i32
      %dma_start3A_88 = arith.constant 1 : i32
      %dma_start3A_89 = tpu.memref_slice %run_scoped3A_0[%dma_start3A_88] : memref<2x!tpu.dma_semaphore, #tpu.memory_space<semaphore_mem>> -> memref<1x!tpu.dma_semaphore, #tpu.memory_space<semaphore_mem>>
      %dma_start3A_90 = tpu.memref_squeeze %dma_start3A_89 : memref<1x!tpu.dma_semaphore, #tpu.memory_space<semaphore_mem>> -> memref<!tpu.dma_semaphore, #tpu.memory_space<semaphore_mem>>
      %dma_start3A_91 = arith.constant 0 : i32
      %dma_start3A_92 = tpu.memref_slice %arg2[%add3A_86, %dma_start3A_91] : memref<8192x1024xf32, #tpu.memory_space<hbm>> -> memref<512x1024xf32, #tpu.memory_space<hbm>>
      %dma_start3A_93 = arith.constant 0 : i32
      %dma_start3A_94 = arith.constant 0 : i32
      %dma_start3A_95 = tpu.memref_slice %arg3[%dma_start3A_87, %dma_start3A_93, %dma_start3A_94] : memref<2x512x1024xf32, #tpu.memory_space<vmem_shared>> -> memref<1x512x1024xf32, #tpu.memory_space<vmem_shared>>
      %dma_start3A_96 = tpu.memref_squeeze %dma_start3A_95 : memref<1x512x1024xf32, #tpu.memory_space<vmem_shared>> -> memref<512x1024xf32, #tpu.memory_space<vmem_shared>>
      tpu.enqueue_dma source(%dma_start3A_96 : memref<512x1024xf32, #tpu.memory_space<vmem_shared>>) target(%dma_start3A_92 : memref<512x1024xf32, #tpu.memory_space<hbm>>) target_semaphore(%dma_start3A_90 : memref<!tpu.dma_semaphore, #tpu.memory_space<semaphore_mem>>)
      %add3A_97 = arith.constant 512 : i32
      %add3A_98 = arith.addi %add3A_2, %add3A_97 : i32
      %dma_wait3A_99 = arith.constant 1 : i32
      %dma_wait3A_100 = arith.constant 1 : i32
      %dma_wait3A_101 = tpu.memref_slice %run_scoped3A_0[%dma_wait3A_100] : memref<2x!tpu.dma_semaphore, #tpu.memory_space<semaphore_mem>> -> memref<1x!tpu.dma_semaphore, #tpu.memory_space<semaphore_mem>>
      %dma_wait3A_102 = tpu.memref_squeeze %dma_wait3A_101 : memref<1x!tpu.dma_semaphore, #tpu.memory_space<semaphore_mem>> -> memref<!tpu.dma_semaphore, #tpu.memory_space<semaphore_mem>>
      %dma_wait3A_103 = arith.constant 0 : i32
      %dma_wait3A_104 = tpu.memref_slice %arg2[%add3A_98, %dma_wait3A_103] : memref<8192x1024xf32, #tpu.memory_space<hbm>> -> memref<512x1024xf32, #tpu.memory_space<hbm>>
      %dma_wait3A_105 = arith.constant 0 : i32
      %dma_wait3A_106 = arith.constant 0 : i32
      %dma_wait3A_107 = tpu.memref_slice %arg3[%dma_wait3A_99, %dma_wait3A_105, %dma_wait3A_106] : memref<2x512x1024xf32, #tpu.memory_space<vmem_shared>> -> memref<1x512x1024xf32, #tpu.memory_space<vmem_shared>>
      %dma_wait3A_108 = tpu.memref_squeeze %dma_wait3A_107 : memref<1x512x1024xf32, #tpu.memory_space<vmem_shared>> -> memref<512x1024xf32, #tpu.memory_space<vmem_shared>>
      tpu.wait_dma2 semaphore(%dma_wait3A_102 : memref<!tpu.dma_semaphore, #tpu.memory_space<semaphore_mem>>) src(%dma_wait3A_108 : memref<512x1024xf32, #tpu.memory_space<vmem_shared>>) dst(%dma_wait3A_104 : memref<512x1024xf32, #tpu.memory_space<hbm>>)
      %add3A_109 = arith.constant 1536 : i32
      %add3A_110 = arith.addi %add3A_2, %add3A_109 : i32
      %dma_start3A_111 = arith.constant 1 : i32
      %dma_start3A_112 = arith.constant 1 : i32
      %dma_start3A_113 = tpu.memref_slice %run_scoped3A[%dma_start3A_112] : memref<2x!tpu.dma_semaphore, #tpu.memory_space<semaphore_mem>> -> memref<1x!tpu.dma_semaphore, #tpu.memory_space<semaphore_mem>>
      %dma_start3A_114 = tpu.memref_squeeze %dma_start3A_113 : memref<1x!tpu.dma_semaphore, #tpu.memory_space<semaphore_mem>> -> memref<!tpu.dma_semaphore, #tpu.memory_space<semaphore_mem>>
      %dma_start3A_115 = arith.constant 0 : i32
      %dma_start3A_116 = arith.constant 0 : i32
      %dma_start3A_117 = tpu.memref_slice %arg3[%dma_start3A_111, %dma_start3A_115, %dma_start3A_116] : memref<2x512x1024xf32, #tpu.memory_space<vmem_shared>> -> memref<1x512x1024xf32, #tpu.memory_space<vmem_shared>>
      %dma_start3A_118 = tpu.memref_squeeze %dma_start3A_117 : memref<1x512x1024xf32, #tpu.memory_space<vmem_shared>> -> memref<512x1024xf32, #tpu.memory_space<vmem_shared>>
      %dma_start3A_119 = arith.constant 0 : i32
      %dma_start3A_120 = tpu.memref_slice %arg1[%add3A_110, %dma_start3A_119] : memref<8192x1024xf32, #tpu.memory_space<hbm>> -> memref<512x1024xf32, #tpu.memory_space<hbm>>
      tpu.enqueue_dma source(%dma_start3A_120 : memref<512x1024xf32, #tpu.memory_space<hbm>>) target(%dma_start3A_118 : memref<512x1024xf32, #tpu.memory_space<vmem_shared>>) target_semaphore(%dma_start3A_114 : memref<!tpu.dma_semaphore, #tpu.memory_space<semaphore_mem>>)
      %add3A_121 = arith.constant 1024 : i32
      %add3A_122 = arith.addi %add3A_2, %add3A_121 : i32
      %dma_wait3A_123 = arith.constant 0 : i32
      %dma_wait3A_124 = arith.constant 0 : i32
      %dma_wait3A_125 = tpu.memref_slice %run_scoped3A[%dma_wait3A_124] : memref<2x!tpu.dma_semaphore, #tpu.memory_space<semaphore_mem>> -> memref<1x!tpu.dma_semaphore, #tpu.memory_space<semaphore_mem>>
      %dma_wait3A_126 = tpu.memref_squeeze %dma_wait3A_125 : memref<1x!tpu.dma_semaphore, #tpu.memory_space<semaphore_mem>> -> memref<!tpu.dma_semaphore, #tpu.memory_space<semaphore_mem>>
      %dma_wait3A_127 = arith.constant 0 : i32
      %dma_wait3A_128 = arith.constant 0 : i32
      %dma_wait3A_129 = tpu.memref_slice %arg3[%dma_wait3A_123, %dma_wait3A_127, %dma_wait3A_128] : memref<2x512x1024xf32, #tpu.memory_space<vmem_shared>> -> memref<1x512x1024xf32, #tpu.memory_space<vmem_shared>>
      %dma_wait3A_130 = tpu.memref_squeeze %dma_wait3A_129 : memref<1x512x1024xf32, #tpu.memory_space<vmem_shared>> -> memref<512x1024xf32, #tpu.memory_space<vmem_shared>>
      %dma_wait3A_131 = arith.constant 0 : i32
      %dma_wait3A_132 = tpu.memref_slice %arg1[%add3A_122, %dma_wait3A_131] : memref<8192x1024xf32, #tpu.memory_space<hbm>> -> memref<512x1024xf32, #tpu.memory_space<hbm>>
      tpu.wait_dma2 semaphore(%dma_wait3A_126 : memref<!tpu.dma_semaphore, #tpu.memory_space<semaphore_mem>>) src(%dma_wait3A_132 : memref<512x1024xf32, #tpu.memory_space<hbm>>) dst(%dma_wait3A_130 : memref<512x1024xf32, #tpu.memory_space<vmem_shared>>)
      %add3A_133 = arith.constant 1024 : i32
      %add3A_134 = arith.addi %add3A_2, %add3A_133 : i32
      %dma_start3A_135 = arith.constant 0 : i32
      %dma_start3A_136 = arith.constant 0 : i32
      %dma_start3A_137 = tpu.memref_slice %run_scoped3A_0[%dma_start3A_136] : memref<2x!tpu.dma_semaphore, #tpu.memory_space<semaphore_mem>> -> memref<1x!tpu.dma_semaphore, #tpu.memory_space<semaphore_mem>>
      %dma_start3A_138 = tpu.memref_squeeze %dma_start3A_137 : memref<1x!tpu.dma_semaphore, #tpu.memory_space<semaphore_mem>> -> memref<!tpu.dma_semaphore, #tpu.memory_space<semaphore_mem>>
      %dma_start3A_139 = arith.constant 0 : i32
      %dma_start3A_140 = tpu.memref_slice %arg2[%add3A_134, %dma_start3A_139] : memref<8192x1024xf32, #tpu.memory_space<hbm>> -> memref<512x1024xf32, #tpu.memory_space<hbm>>
      %dma_start3A_141 = arith.constant 0 : i32
      %dma_start3A_142 = arith.constant 0 : i32
      %dma_start3A_143 = tpu.memref_slice %arg3[%dma_start3A_135, %dma_start3A_141, %dma_start3A_142] : memref<2x512x1024xf32, #tpu.memory_space<vmem_shared>> -> memref<1x512x1024xf32, #tpu.memory_space<vmem_shared>>
      %dma_start3A_144 = tpu.memref_squeeze %dma_start3A_143 : memref<1x512x1024xf32, #tpu.memory_space<vmem_shared>> -> memref<512x1024xf32, #tpu.memory_space<vmem_shared>>
      tpu.enqueue_dma source(%dma_start3A_144 : memref<512x1024xf32, #tpu.memory_space<vmem_shared>>) target(%dma_start3A_140 : memref<512x1024xf32, #tpu.memory_space<hbm>>) target_semaphore(%dma_start3A_138 : memref<!tpu.dma_semaphore, #tpu.memory_space<semaphore_mem>>)
      %add3A_145 = arith.constant 1536 : i32
      %add3A_146 = arith.addi %add3A_2, %add3A_145 : i32
      %dma_wait3A_147 = arith.constant 1 : i32
      %dma_wait3A_148 = arith.constant 1 : i32
      %dma_wait3A_149 = tpu.memref_slice %run_scoped3A[%dma_wait3A_148] : memref<2x!tpu.dma_semaphore, #tpu.memory_space<semaphore_mem>> -> memref<1x!tpu.dma_semaphore, #tpu.memory_space<semaphore_mem>>
      %dma_wait3A_150 = tpu.memref_squeeze %dma_wait3A_149 : memref<1x!tpu.dma_semaphore, #tpu.memory_space<semaphore_mem>> -> memref<!tpu.dma_semaphore, #tpu.memory_space<semaphore_mem>>
      %dma_wait3A_151 = arith.constant 0 : i32
      %dma_wait3A_152 = arith.constant 0 : i32
      %dma_wait3A_153 = tpu.memref_slice %arg3[%dma_wait3A_147, %dma_wait3A_151, %dma_wait3A_152] : memref<2x512x1024xf32, #tpu.memory_space<vmem_shared>> -> memref<1x512x1024xf32, #tpu.memory_space<vmem_shared>>
      %dma_wait3A_154 = tpu.memref_squeeze %dma_wait3A_153 : memref<1x512x1024xf32, #tpu.memory_space<vmem_shared>> -> memref<512x1024xf32, #tpu.memory_space<vmem_shared>>
      %dma_wait3A_155 = arith.constant 0 : i32
      %dma_wait3A_156 = tpu.memref_slice %arg1[%add3A_146, %dma_wait3A_155] : memref<8192x1024xf32, #tpu.memory_space<hbm>> -> memref<512x1024xf32, #tpu.memory_space<hbm>>
      tpu.wait_dma2 semaphore(%dma_wait3A_150 : memref<!tpu.dma_semaphore, #tpu.memory_space<semaphore_mem>>) src(%dma_wait3A_156 : memref<512x1024xf32, #tpu.memory_space<hbm>>) dst(%dma_wait3A_154 : memref<512x1024xf32, #tpu.memory_space<vmem_shared>>)
      %add3A_157 = arith.constant 1536 : i32
      %add3A_158 = arith.addi %add3A_2, %add3A_157 : i32
      %dma_start3A_159 = arith.constant 1 : i32
      %dma_start3A_160 = arith.constant 1 : i32
      %dma_start3A_161 = tpu.memref_slice %run_scoped3A_0[%dma_start3A_160] : memref<2x!tpu.dma_semaphore, #tpu.memory_space<semaphore_mem>> -> memref<1x!tpu.dma_semaphore, #tpu.memory_space<semaphore_mem>>
      %dma_start3A_162 = tpu.memref_squeeze %dma_start3A_161 : memref<1x!tpu.dma_semaphore, #tpu.memory_space<semaphore_mem>> -> memref<!tpu.dma_semaphore, #tpu.memory_space<semaphore_mem>>
      %dma_start3A_163 = arith.constant 0 : i32
      %dma_start3A_164 = tpu.memref_slice %arg2[%add3A_158, %dma_start3A_163] : memref<8192x1024xf32, #tpu.memory_space<hbm>> -> memref<512x1024xf32, #tpu.memory_space<hbm>>
      %dma_start3A_165 = arith.constant 0 : i32
      %dma_start3A_166 = arith.constant 0 : i32
      %dma_start3A_167 = tpu.memref_slice %arg3[%dma_start3A_159, %dma_start3A_165, %dma_start3A_166] : memref<2x512x1024xf32, #tpu.memory_space<vmem_shared>> -> memref<1x512x1024xf32, #tpu.memory_space<vmem_shared>>
      %dma_start3A_168 = tpu.memref_squeeze %dma_start3A_167 : memref<1x512x1024xf32, #tpu.memory_space<vmem_shared>> -> memref<512x1024xf32, #tpu.memory_space<vmem_shared>>
      tpu.enqueue_dma source(%dma_start3A_168 : memref<512x1024xf32, #tpu.memory_space<vmem_shared>>) target(%dma_start3A_164 : memref<512x1024xf32, #tpu.memory_space<hbm>>) target_semaphore(%dma_start3A_162 : memref<!tpu.dma_semaphore, #tpu.memory_space<semaphore_mem>>)
      %add3A_169 = arith.constant 1024 : i32
      %add3A_170 = arith.addi %add3A_2, %add3A_169 : i32
      %dma_wait3A_171 = arith.constant 0 : i32
      %dma_wait3A_172 = arith.constant 0 : i32
      %dma_wait3A_173 = tpu.memref_slice %run_scoped3A_0[%dma_wait3A_172] : memref<2x!tpu.dma_semaphore, #tpu.memory_space<semaphore_mem>> -> memref<1x!tpu.dma_semaphore, #tpu.memory_space<semaphore_mem>>
      %dma_wait3A_174 = tpu.memref_squeeze %dma_wait3A_173 : memref<1x!tpu.dma_semaphore, #tpu.memory_space<semaphore_mem>> -> memref<!tpu.dma_semaphore, #tpu.memory_space<semaphore_mem>>
      %dma_wait3A_175 = arith.constant 0 : i32
      %dma_wait3A_176 = tpu.memref_slice %arg2[%add3A_170, %dma_wait3A_175] : memref<8192x1024xf32, #tpu.memory_space<hbm>> -> memref<512x1024xf32, #tpu.memory_space<hbm>>
      %dma_wait3A_177 = arith.constant 0 : i32
      %dma_wait3A_178 = arith.constant 0 : i32
      %dma_wait3A_179 = tpu.memref_slice %arg3[%dma_wait3A_171, %dma_wait3A_177, %dma_wait3A_178] : memref<2x512x1024xf32, #tpu.memory_space<vmem_shared>> -> memref<1x512x1024xf32, #tpu.memory_space<vmem_shared>>
      %dma_wait3A_180 = tpu.memref_squeeze %dma_wait3A_179 : memref<1x512x1024xf32, #tpu.memory_space<vmem_shared>> -> memref<512x1024xf32, #tpu.memory_space<vmem_shared>>
      tpu.wait_dma2 semaphore(%dma_wait3A_174 : memref<!tpu.dma_semaphore, #tpu.memory_space<semaphore_mem>>) src(%dma_wait3A_180 : memref<512x1024xf32, #tpu.memory_space<vmem_shared>>) dst(%dma_wait3A_176 : memref<512x1024xf32, #tpu.memory_space<hbm>>)
      %add3A_181 = arith.constant 1536 : i32
      %add3A_182 = arith.addi %add3A_2, %add3A_181 : i32
      %dma_wait3A_183 = arith.constant 1 : i32
      %dma_wait3A_184 = arith.constant 1 : i32
      %dma_wait3A_185 = tpu.memref_slice %run_scoped3A_0[%dma_wait3A_184] : memref<2x!tpu.dma_semaphore, #tpu.memory_space<semaphore_mem>> -> memref<1x!tpu.dma_semaphore, #tpu.memory_space<semaphore_mem>>
      %dma_wait3A_186 = tpu.memref_squeeze %dma_wait3A_185 : memref<1x!tpu.dma_semaphore, #tpu.memory_space<semaphore_mem>> -> memref<!tpu.dma_semaphore, #tpu.memory_space<semaphore_mem>>
      %dma_wait3A_187 = arith.constant 0 : i32
      %dma_wait3A_188 = tpu.memref_slice %arg2[%add3A_182, %dma_wait3A_187] : memref<8192x1024xf32, #tpu.memory_space<hbm>> -> memref<512x1024xf32, #tpu.memory_space<hbm>>
      %dma_wait3A_189 = arith.constant 0 : i32
      %dma_wait3A_190 = arith.constant 0 : i32
      %dma_wait3A_191 = tpu.memref_slice %arg3[%dma_wait3A_183, %dma_wait3A_189, %dma_wait3A_190] : memref<2x512x1024xf32, #tpu.memory_space<vmem_shared>> -> memref<1x512x1024xf32, #tpu.memory_space<vmem_shared>>
      %dma_wait3A_192 = tpu.memref_squeeze %dma_wait3A_191 : memref<1x512x1024xf32, #tpu.memory_space<vmem_shared>> -> memref<512x1024xf32, #tpu.memory_space<vmem_shared>>
      tpu.wait_dma2 semaphore(%dma_wait3A_186 : memref<!tpu.dma_semaphore, #tpu.memory_space<semaphore_mem>>) src(%dma_wait3A_192 : memref<512x1024xf32, #tpu.memory_space<vmem_shared>>) dst(%dma_wait3A_188 : memref<512x1024xf32, #tpu.memory_space<hbm>>)
      tpu.yield
    }) : () -> ()
    return
  }
}

</mosaic_0001>

<sc_bundles>
// kernel: _copy.3.cloned.1.call-start
scs
__scs_entry_jumppad:
0x0: {  	(pc) =	sbr.rel $0x88, $3  }
0x1: {  	(tag) =	ssettag $0x0;
	lr =	simm.s32 $0x1  }
0x2: {  	[smem:$0x3FA0] =	sst lr;
	_ =	strace $0xD0000000  }
0x3: {  	_ = 	snop  }
0x4: {  	_ = 	snop  }
0x5: {  	_ = 	snop  }
0x6: {  	_ = 	snop  }
0x7: {  	_ = 	snop  }
__scs_overlays_trampoline_lowered:
0x8: {  	[smem:$0x3FAF] =	sst s0  }
0x9: {  	[smem:$0x3FB0] =	sst s1  }
0xa: {  	[smem:$0x3FB1] =	sst s2  }
0xb: {  	[smem:$0x3FB2] =	sst s3  }
0xc: {  	[smem:$0x3FB3] =	sst s4  }
0xd: {  	[smem:$0x3FB4] =	sst s5  }
0xe: {  	[smem:$0x3FB5] =	sst s6  }
0xf: {  	[smem:$0x3FB6] =	sst s7  }
0x10: {  	[smem:$0x3FB7] =	sst s8  }
0x11: {  	[smem:$0x3FB8] =	sst s9;
	s0 =	simm.s32 @!p0 $0x0  }
0x12: {  	s1 =	sld [smem:$0x3F9E];
	s0 =	simm.s32 @p0 $0x1  }
0x13: {  	[smem:$0x3FB9] =	sst s0;
	s0 =	simm.s32 @!p1 $0x0  }
0x14: {  	s2 =	sld [smem:$0x3F9D];
	s0 =	simm.s32 @p1 $0x1  }
0x15: {  	[smem:$0x3FBA] =	sst s0;
	s0 =	simm.s32 @!p2 $0x0  }
0x16: {  	s3 =	sld [smem:$0x3FDB];
	s0 =	simm.s32 @p2 $0x1  }
0x17: {  	s4 =	simm.s32 $0x1BF5;
	[smem:$0x3FBC] =	sst s0  }
0x18: {  	s0 =	sld [smem:$0x3F9F];
	_ =	swait.ge [sflag:s4], $0x0  }
0x19: {  	s7 =	sld [smem:$0x3FA0]  }
0x1a: {  	s8 =	sadd.s32 $0xFFFFE003, lr  }
0x1b: {  	s9 =	sadd.s32 $0xFFFFFEF7, lr;
	s5 =	simm.s32 $0xFFFFFFFF;
	p2 =	slt.u32 s8, $0xFFFFF086  }
0x1c: {  	p1 =	slt.u32 s9, $0xF7A;
	s5 =	simm.s32 @!p2 $0x0  }
0x1d: {  	s5 =	simm.s32 @p1 $0x1;
	p0 =	seq.s32 s7, s2  }
0x1e: {  	s7 =	smul.u32 @!p0 $0xF7A, s2;
	p2 =	seq.s32 @!p0 s5, $0x0  }
0x1f: {  	s9 =	smul.u32 $0xF7A, s1;
	s8 =	simm.s32 @!p0 $0x1BF5;
	p2 =	por !p2, p0  }
0x20: {  	[sflag:s8] =	ssyncset.s32 @!p0 $0xFFFFF086;
	s6 =	sadd.s32 @!p0 s3, s7;
	s7 =	simm.s32 @!p0 $0x108  }
0x21: {  	s3 =	sadd.s32 s3, s9;
	s6 =	sadd.s32 @!p0 $0x88, s6;
	s7 =	simm.s32 @p2 $0x1082  }
0x22: {  	[simem:s7], [sflag:s8] =	dma.local @!p0 [hbm:s6], $0xF7A  }
0x23: {  	s9 =	sor.u32 $0xD0000000, s2;
	s6 =	simm.s32 $0x108;
	_ =	swait.ge @!p0 [sflag:s8], $0x0  }
0x24: {  	s3 =	sadd.s32 $0x88, s3;
	s6 =	simm.s32 @!p1 $0x1082;
	[sflag:s4] =	ssyncset.s32 $0xFFFFF086  }
0x25: {  	[simem:s6], [sflag:s4] =	dma.local [hbm:s3], $0xF7A  }
0x26: {  	[smem:$0x3FA0] =	sst s1;
	(tag) =	ssettag s2;
	_ =	strace s9  }
0x27: {  	s1 =	sld [smem:$0x3FB0]  }
0x28: {  	s2 =	sld [smem:$0x3FB1]  }
0x29: {  	s4 =	sld [smem:$0x3FB3]  }
0x2a: {  	p0 =	seq.s32 s5, $0x0;
	s5 =	sld [smem:$0x3FB4]  }
0x2b: {  	s6 =	sld [smem:$0x3FB5]  }
0x2c: {  	s7 =	sld [smem:$0x3FB6]  }
0x2d: {  	s3 =	simm.s32 $0x108;
	s8 =	sld [smem:$0x3FB7]  }
0x2e: {  	s3 =	simm.s32 @!p0 $0x1082;
	s9 =	sld [smem:$0x3FB8]  }
0x2f: {  	lr =	sadd.s32 s0, s3;
	s0 =	sld [smem:$0x3FAF]  }
0x30: {  	s3 =	sld [smem:$0x3FB2]  }
0x31: {  	[smem:$0x3FBB] =	sst s10  }
0x32: {  	s10 =	sld [smem:$0x3FB9];
	_ =	sdelay $0x3  }
0x33: {  	p0 =	seq.s32 s10, $0x1;
	s10 =	sld [smem:$0x3FBB];
	_ =	sdelay $0x3  }
0x34: {  	[smem:$0x3FBB] =	sst s10  }
0x35: {  	s10 =	sld [smem:$0x3FBA];
	_ =	sdelay $0x3  }
0x36: {  	p1 =	seq.s32 s10, $0x1;
	s10 =	sld [smem:$0x3FBB];
	_ =	sdelay $0x3  }
0x37: {  	[smem:$0x3FBB] =	sst s10  }
0x38: {  	s10 =	sld [smem:$0x3FBC]  }
0x39: {  	_ = 	snop;
	(pc) =	sbr.ind lr, $3  }
0x3a: {  	_ = 	snop  }
0x3b: {  	_ = 	snop  }
0x3c: {  	p2 =	seq.s32 s10, $0x1;
	s10 =	sld [smem:$0x3FBB]  }
0x3d: {  	_ =	shalt  }
0x3e: {  	_ =	shalt  }
0x3f: {  	_ =	shalt  }
0x40: {  	_ =	shalt  }
0x41: {  	_ =	shalt  }
0x42: {  	_ =	shalt  }
0x43: {  	_ =	shalt  }
0x44: {  	_ =	shalt  }
0x45: {  	_ =	shalt  }
0x46: {  	_ =	shalt  }
0x47: {  	_ =	shalt  }
0x48: {  	_ =	shalt  }
0x49: {  	_ =	shalt  }
0x4a: {  	_ =	shalt  }
0x4b: {  	_ =	shalt  }
0x4c: {  	_ =	shalt  }
0x4d: {  	_ =	shalt  }
0x4e: {  	_ =	shalt  }
0x4f: {  	_ =	shalt  }
0x50: {  	_ =	shalt  }
0x51: {  	_ =	shalt  }
0x52: {  	_ =	shalt  }
0x53: {  	_ =	shalt  }
0x54: {  	_ =	shalt  }
0x55: {  	_ =	shalt  }
0x56: {  	_ =	shalt  }
0x57: {  	_ =	shalt  }
0x58: {  	_ =	shalt  }
0x59: {  	_ =	shalt  }
0x5a: {  	_ =	shalt  }
0x5b: {  	_ =	shalt  }
0x5c: {  	_ =	shalt  }
0x5d: {  	_ =	shalt  }
0x5e: {  	_ =	shalt  }
0x5f: {  	_ =	shalt  }
0x60: {  	_ =	shalt  }
0x61: {  	_ =	shalt  }
0x62: {  	_ =	shalt  }
0x63: {  	_ =	shalt  }
0x64: {  	_ =	shalt  }
0x65: {  	_ =	shalt  }
0x66: {  	_ =	shalt  }
0x67: {  	_ =	shalt  }
0x68: {  	_ =	shalt  }
0x69: {  	_ =	shalt  }
0x6a: {  	_ =	shalt  }
0x6b: {  	_ =	shalt  }
0x6c: {  	_ =	shalt  }
0x6d: {  	_ =	shalt  }
0x6e: {  	_ =	shalt  }
0x6f: {  	_ =	shalt  }
0x70: {  	_ =	shalt  }
0x71: {  	_ =	shalt  }
0x72: {  	_ =	shalt  }
0x73: {  	_ =	shalt  }
0x74: {  	_ =	shalt  }
0x75: {  	_ =	shalt  }
0x76: {  	_ =	shalt  }
0x77: {  	_ =	shalt  }
0x78: {  	_ =	shalt  }
0x79: {  	_ =	shalt  }
0x7a: {  	_ =	shalt  }
0x7b: {  	_ =	shalt  }
0x7c: {  	_ =	shalt  }
0x7d: {  	_ =	shalt  }
0x7e: {  	_ =	shalt  }
0x7f: {  	_ =	shalt  }
0x80: {  	_ =	shalt  }
0x81: {  	_ =	shalt  }
0x82: {  	_ =	shalt  }
0x83: {  	_ =	shalt  }
0x84: {  	_ =	shalt  }
0x85: {  	_ =	shalt  }
0x86: {  	_ =	shalt  }
0x87: {  	_ =	shalt  }
.Lfunc_end0:
.L_simem_size_0:
called_computation_lowered:
.L_overlay_start_0:
0x88: {  	s1 =	sld [smem:$0x3FD9]  }
0x89: {  	s3 =	sld [smem:$0x3FFE];
	_ =	sdelay $0x1  }
0x8a: {  	s2 =	srdreg.scid  }
0x8b: {  	s0 =	sand.u32 $0x1, s2  }
0x8c: {  	s30 =	sshll.u32 s0, $0xA;
	s1 =	sadd.s32 s3, s1  }
0x8d: {  	s1 =	sadd.s32 s1, s30  }
0x8e: {  	[smem:$0x3FC7] =	sst s1  }
0x8f: {  	_ = 	snop  }
0x90: {  	s1 =	simm.s32 $0x0;
	s4 =	sld [smem:$0x3FC9]  }
0x91: {  	[smem:$0xF] =	sst s1  }
0x92: {  	s31 =	sld [smem:$0x3FD0];
	(tm) =	ssettm $0x1  }
0x93: {  	s5 =	sld [smem:$0x3FFB];
	_ =	sdelay $0x3  }
0x94: {  	_ =	strace s5  }
0x95: {  	s5 =	sld [smem:$0x3FFC];
	_ =	sdelay $0x3  }
0x96: {  	_ =	strace s5  }
0x97: {  	s5 =	sld [smem:$0x3FFD];
	_ =	sdelay $0x3  }
0x98: {  	_ =	strace s5  }
0x99: {  	_ =	strace $0x8FFFFFFF  }
0x9a: {  	s13 =	sld [smem:$0x3FDB];
	_ =	sdelay $0x2  }
0x9b: {  	s6 =	simm.s32 $_scs_section_size;
	s7 =	simm.s32 $_tile_overlayer_lowered  }
0x9c: {  	s14 =	simm.s32 $_size__tile_overlayer_lowered;
	s7 =	sshll.u32 s7, $0x1;
	s5 =	sadd.s32 s6, s13  }
0x9d: {  	s8 =	simm.s32 $0x1BFF;
	s6 =	sshll.u32 s14, $0x1;
	s7 =	sadd.s32 s7, s5  }
0x9e: {  	[timem:s1], [sflag:s8] =	dma.local [hbm:s7], s6  }
0x9f: {  	_ =	swait.ge [sflag:s8], s6  }
0xa0: {  	s6 =	ssub.s32 $0x0, s6;
	[sflag:s8] =	ssyncset.done $0x0  }
0xa1: {  	[sflag:s8] =	ssyncadd.s32 s6;
	_ =	sdelay $0x1  }
0xa2: {  	s15 =	simm.s32 $0x1B8B  }
0xa3: {  	_ =	swait.ge [sflag:s15], $0x1  }
0xa4: {  	[sflag:s15] =	ssyncset.done $0x0  }
0xa5: {  	s16 =	simm.s32 $0x1B8E;
	[sflag:s15] =	ssyncadd.s32 $0xFFFFFFFF  }
0xa6: {  	s17 =	simm.s32 $execute0_lowered;
	[smem:$0x3FD2] =	sst s16  }
0xa7: {  	s6 =	sshll.u32 s17, $0x1;
	_ =	strace $0x80000046;
	[dreg:$0x1] =	wrdreg $0xFFFFFFFF  }
0xa8: {  	s18 =	simm.s32 $_size_execute0_lowered;
	s5 =	sadd.s32 s5, s6;
	[dreg:$0x0] =	wrdreg $0x0  }
0xa9: {  	s6 =	sshll.u32 s18, $0x1;
	[dreg:$0x2] =	wrdreg s5  }
0xaa: {  	[dreg:$0x3] =	wrdreg s6  }
0xab: {  	[dreg:$0x4] =	wrdreg $0xC0  }
0xac: {  	_ =	task [dreg:s1], $0x5FFFF  }
0xad: {  	[dreg:$0x1] =	wrdreg $0xFFFFFFFF  }
0xae: {  	[dreg:$0x0] =	wrdreg $0x60  }
0xaf: {  	s22 =	simm.s32 $0xA;
	s10 =	simm.s32 $0xB;
	[dreg:$0x2] =	wrdreg s4  }
0xb0: {  	s11 =	simm.s32 $0x10000;
	s19 =	sshll.u32 s0, $0x12;
	[dreg:$0x3] =	wrdreg s31  }
0xb1: {  	s20 =	sor.u32 $0x80000, s19;
	s23 =	sor.u32 $0x90000, s19;
	[dreg:$0x4] =	wrdreg $0x9  }
0xb2: {  	s21 =	sadd.s32 s20, s4;
	s9 =	sadd.s32 s23, s4;
	_ =	task.clear_ibuf [dreg:s1], $0x5FFFF  }
0xb3: {  	[spmem:s1], [sflag:s22] =	dma.local [hbm:s21], $0x10000  }
0xb4: {  	[spmem:s11], [sflag:s10] =	dma.local [hbm:s9], $0x10000  }
0xb5: {  	_ =	swait.ge [sflag:s22], $0x10000  }
0xb6: {  	[sflag:s22] =	ssyncset.done $0x0  }
0xb7: {  	[sflag:s22] =	ssyncadd.s32 $0xFFFF0000  }
0xb8: {  	s24 =	simm.s32 $0xC;
	s6 =	sadd.s32 s20, s31  }
0xb9: {  	[hbm:s6], [sflag:s24] =	dma.local [spmem:s1], $0x10000  }
0xba: {  	_ =	swait.ge [sflag:s24], $0x10000  }
0xbb: {  	[sflag:s24] =	ssyncset.done $0x0  }
0xbc: {  	s25 =	sor.u32 $0xA0000, s19;
	[sflag:s24] =	ssyncadd.s32 $0xFFFF0000  }
0xbd: {  	s12 =	sadd.s32 s25, s4  }
0xbe: {  	[spmem:s1], [sflag:s22] =	dma.local [hbm:s12], $0x10000  }
0xbf: {  	_ =	swait.ge [sflag:s10], $0x10000  }
0xc0: {  	[sflag:s10] =	ssyncset.done $0x0  }
0xc1: {  	[sflag:s10] =	ssyncadd.s32 $0xFFFF0000  }
0xc2: {  	s26 =	simm.s32 $0xD;
	s7 =	sadd.s32 s23, s31  }
0xc3: {  	[hbm:s7], [sflag:s26] =	dma.local [spmem:s11], $0x10000  }
0xc4: {  	_ =	swait.ge [sflag:s26], $0x10000  }
0xc5: {  	[sflag:s26] =	ssyncset.done $0x0  }
0xc6: {  	s5 =	sor.u32 $0xB0000, s19;
	[sflag:s26] =	ssyncadd.s32 $0xFFFF0000  }
0xc7: {  	s4 =	sadd.s32 s5, s4  }
0xc8: {  	[spmem:s11], [sflag:s10] =	dma.local [hbm:s4], $0x10000  }
0xc9: {  	_ =	swait.ge [sflag:s22], $0x10000  }
0xca: {  	[sflag:s22] =	ssyncset.done $0x0  }
0xcb: {  	[sflag:s22] =	ssyncadd.s32 $0xFFFF0000  }
0xcc: {  	s28 =	sadd.s32 s25, s31  }
0xcd: {  	[hbm:s28], [sflag:s24] =	dma.local [spmem:s1], $0x10000  }
0xce: {  	_ =	swait.ge [sflag:s10], $0x10000  }
0xcf: {  	[sflag:s10] =	ssyncset.done $0x0  }
0xd0: {  	[sflag:s10] =	ssyncadd.s32 $0xFFFF0000  }
0xd1: {  	s3 =	sadd.s32 s5, s31  }
0xd2: {  	[hbm:s3], [sflag:s26] =	dma.local [spmem:s11], $0x10000  }
0xd3: {  	_ =	swait.ge [sflag:s24], $0x10000  }
0xd4: {  	[sflag:s24] =	ssyncset.done $0x0  }
0xd5: {  	[sflag:s24] =	ssyncadd.s32 $0xFFFF0000;
	_ =	sdelay $0x2  }
0xd6: {  	_ =	swait.ge [sflag:s26], $0x10000  }
0xd7: {  	[sflag:s26] =	ssyncset.done $0x0  }
0xd8: {  	[sflag:s26] =	ssyncadd.s32 $0xFFFF0000  }
0xd9: {  	_ =	strace $0x90000046  }
0xda: {  	s29 =	simm.s32 $0x9;
	_ =	strace $0x80000048  }
0xdb: {  	_ =	swait.ge [sflag:s29], $0x1  }
0xdc: {  	[sflag:s29] =	ssyncadd.s32 $0xFFFFFFFF  }
0xdd: {  	_ =	strace $0x90000048  }
0xde: {  	_ =	sfence  }
0xdf: {  	s30 =	sld [smem:$0x0];
	_ =	sdelay $0x2  }
0xe0: {  	s31 =	sshll.u32 s2, $0xD;
	s2 =	sshrl.u32 s2, $0x2  }
0xe1: {  	s4 =	sand.u32 $0x4000, s31;
	s2 =	sadd.s32 s2, s30  }
0xe2: {  	s0 =	sor.u32 s4, s0;
	s2 =	sshll.u32 s2, $0x11  }
0xe3: {  	s0 =	sor.u32 s2, s0  }
0xe4: {  	s0 =	sadd.s32 $0x8F2B, s0  }
0xe5: {  	[sflag:s0] =	ssyncadd.remote.s32 $0x1  }
0xe6: {  	_ =	sfence.sel $0xFFFF  }
0xe7: {  	[dreg:$0x0] =	wrdreg $0xFFFFFFFF;
	(pc) =	sbr.abs _section_cstart, $3  }
0xe8: {  	[dreg:$0x1] =	wrdreg $0xFFFFFFFF  }
0xe9: {  	_ =	task.clear_ibuf [dreg:s1], $0x2FFFF;
	_ =	strace $0x9FFFFFFF  }
0xea: {  	(tm) =	ssettm $0x7FFFFFFF  }
0xeb: {  	_ =	shalt  }
tec
execute0_lowered:
.L_overlay_start_1:
0x0: {  	(tag) =	ssettag $0x1  }
0x1: {  	s14 =	rddreg [dreg:$0x0]  }
0x2: {  	s16 =	rddreg [dreg:$0x1];
	s3 =	srdreg.scid  }
0x3: {  	s2 =	simm.s32 $0x0;
	s1 =	stileid.u32;
	s17 =	sand.u32 $0x1, s3  }
0x4: {  	[smem:$0x7FF] =	sst s2;
	s30 =	sshll.u32 s1, $0xF;
	s4 =	sshll.u32 s17, $0xE  }
0x5: {  	s0 =	rddreg [dreg:$0x2];
	_ =	strace $0x80000047;
	s15 =	sor.u32 s4, s30  }
0x6: {  	s4 =	simm.s32 $0x10000;
	s3 =	sadd.s32 s14, s15;
	s12 =	sor.u32 $0x1000, s15  }
0x7: {  	[tilespmem:s4], [sflag:$0x1] =	stream.linear.gather [hbm4b:s3+s2], $0x8000, $0x38;
	v63 =	vld [tilespmem:$0x0]  }
0x8: {  	s6 =	simm.s32 $0x18000;
	s7 =	simm.s32 $0x1;
	s5 =	sadd.s32 s14, s12  }
0x9: {  	[tilespmem:s6], [sflag:$0x2] =	stream.linear.gather [hbm4b:s5+s2], $0x8000, $0x38;
	v63 =	vld [tilespmem:$0x0]  }
0xa: {  	_ =	swait.ge [sflag:s7], $0x8000  }
0xb: {  	[sflag:s7] =	ssyncset.done $0x0  }
0xc: {  	s9 =	simm.s32 $0x3;
	s8 =	sadd.s32 s16, s15;
	[sflag:s7] =	ssyncadd.s32 $0xFFFF8000  }
0xd: {  	[hbm4b:s8+s2] =	stream.linear.scatter [tilespmem:s4], [sflag:$0x3], $0x8000, $0x38;
	v63 =	vld [tilespmem:$0x0]  }
0xe: {  	_ =	swait.ge [sflag:s9], $0x8000  }
0xf: {  	s18 =	sor.u32 $0x2000, s15;
	[sflag:s9] =	ssyncset.done $0x0  }
0x10: {  	s11 =	simm.s32 $0x2;
	s10 =	sadd.s32 s14, s18;
	[sflag:s9] =	ssyncadd.s32 $0xFFFF8000  }
0x11: {  	[tilespmem:s4], [sflag:$0x1] =	stream.linear.gather [hbm4b:s10+s2], $0x8000, $0x38;
	v63 =	vld [tilespmem:$0x0]  }
0x12: {  	_ =	swait.ge [sflag:s11], $0x8000  }
0x13: {  	[sflag:s11] =	ssyncset.done $0x0  }
0x14: {  	s13 =	sadd.s32 s16, s12;
	s12 =	simm.s32 $0x4;
	[sflag:s11] =	ssyncadd.s32 $0xFFFF8000  }
0x15: {  	[hbm4b:s13+s2] =	stream.linear.scatter [tilespmem:s6], [sflag:$0x4], $0x8000, $0x38;
	v63 =	vld [tilespmem:$0x0]  }
0x16: {  	_ =	swait.ge [sflag:s12], $0x8000  }
0x17: {  	s19 =	sor.u32 $0x3000, s15;
	[sflag:s12] =	ssyncset.done $0x0  }
0x18: {  	s14 =	sadd.s32 s14, s19;
	[sflag:s12] =	ssyncadd.s32 $0xFFFF8000  }
0x19: {  	[tilespmem:s6], [sflag:$0x2] =	stream.linear.gather [hbm4b:s14+s2], $0x8000, $0x38;
	v63 =	vld [tilespmem:$0x0]  }
0x1a: {  	_ =	swait.ge [sflag:s7], $0x8000  }
0x1b: {  	s17 =	ssub.s32 $0x2, s17;
	[sflag:s7] =	ssyncset.done $0x0  }
0x1c: {  	s31 =	sshrl.u32 s17, $0x1;
	s15 =	sadd.s32 s16, s18;
	[sflag:s7] =	ssyncadd.s32 $0xFFFF8000  }
0x1d: {  	[hbm4b:s15+s2] =	stream.linear.scatter [tilespmem:s4], [sflag:$0x3], $0x8000, $0x38;
	v63 =	vld [tilespmem:$0x0]  }
0x1e: {  	s17 =	ssub.s32 s17, s31;
	_ =	swait.ge [sflag:s11], $0x8000  }
0x1f: {  	s17 =	smax.u32 s17, $0x1;
	[sflag:s11] =	ssyncset.done $0x0  }
0x20: {  	s16 =	sadd.s32 s16, s19;
	p0 =	sne.s32 s17, $0x1;
	[sflag:s11] =	ssyncadd.s32 $0xFFFF8000  }
0x21: {  	[hbm4b:s16+s2] =	stream.linear.scatter [tilespmem:s6], [sflag:$0x4], $0x8000, $0x38;
	v63 =	vld [tilespmem:$0x0]  }
.Ltmp0:
0x22: {  	_ =	swait.ge [sflag:s9], $0x8000;
	(pc) =	sbr.rel @!p0 .LBB2_2-.Ltmp0, $4  }
0x23: {  	[sflag:s9] =	ssyncset.done $0x0  }
0x24: {  	[sflag:s9] =	ssyncadd.s32 $0xFFFF8000  }
0x25: {  	_ =	swait.ge [sflag:s12], $0x8000  }
0x26: {  	s17 =	sadd.s32 $0xFFFFFFFF, s17;
	[sflag:s12] =	ssyncset.done $0x0  }
.LBB2_1:
0x27: {  	p0 =	sne.s32 s17, $0x1;
	s17 =	sadd.s32 $0xFFFFFFFF, s17;
	[sflag:s12] =	ssyncadd.s32 $0xFFFF8000  }
0x28: {  	[tilespmem:s4], [sflag:$0x1] =	stream.linear.gather [hbm4b:s3+s2], $0x8000, $0x38;
	v63 =	vld [tilespmem:$0x0]  }
0x29: {  	_ = 	snop  }
0x2a: {  	[tilespmem:s6], [sflag:$0x2] =	stream.linear.gather [hbm4b:s5+s2], $0x8000, $0x38;
	v63 =	vld [tilespmem:$0x0]  }
0x2b: {  	_ =	swait.ge [sflag:s7], $0x8000  }
0x2c: {  	[sflag:s7] =	ssyncset.done $0x0  }
0x2d: {  	[sflag:s7] =	ssyncadd.s32 $0xFFFF8000  }
0x2e: {  	[hbm4b:s8+s2] =	stream.linear.scatter [tilespmem:s4], [sflag:$0x3], $0x8000, $0x38;
	v63 =	vld [tilespmem:$0x0]  }
0x2f: {  	_ =	swait.ge [sflag:s9], $0x8000  }
0x30: {  	[sflag:s9] =	ssyncset.done $0x0  }
0x31: {  	[sflag:s9] =	ssyncadd.s32 $0xFFFF8000  }
0x32: {  	[tilespmem:s4], [sflag:$0x1] =	stream.linear.gather [hbm4b:s10+s2], $0x8000, $0x38;
	v63 =	vld [tilespmem:$0x0]  }
0x33: {  	_ =	swait.ge [sflag:s11], $0x8000  }
0x34: {  	[sflag:s11] =	ssyncset.done $0x0  }
0x35: {  	[sflag:s11] =	ssyncadd.s32 $0xFFFF8000  }
0x36: {  	[hbm4b:s13+s2] =	stream.linear.scatter [tilespmem:s6], [sflag:$0x4], $0x8000, $0x38;
	v63 =	vld [tilespmem:$0x0]  }
0x37: {  	_ =	swait.ge [sflag:s12], $0x8000  }
0x38: {  	[sflag:s12] =	ssyncset.done $0x0  }
0x39: {  	[sflag:s12] =	ssyncadd.s32 $0xFFFF8000  }
0x3a: {  	[tilespmem:s6], [sflag:$0x2] =	stream.linear.gather [hbm4b:s14+s2], $0x8000, $0x38;
	v63 =	vld [tilespmem:$0x0]  }
0x3b: {  	_ =	swait.ge [sflag:s7], $0x8000  }
0x3c: {  	[sflag:s7] =	ssyncset.done $0x0  }
0x3d: {  	[sflag:s7] =	ssyncadd.s32 $0xFFFF8000  }
0x3e: {  	[hbm4b:s15+s2] =	stream.linear.scatter [tilespmem:s4], [sflag:$0x3], $0x8000, $0x38;
	v63 =	vld [tilespmem:$0x0]  }
0x3f: {  	_ =	swait.ge [sflag:s11], $0x8000  }
0x40: {  	[sflag:s11] =	ssyncset.done $0x0  }
0x41: {  	[sflag:s11] =	ssyncadd.s32 $0xFFFF8000  }
0x42: {  	[hbm4b:s16+s2] =	stream.linear.scatter [tilespmem:s6], [sflag:$0x4], $0x8000, $0x38;
	v63 =	vld [tilespmem:$0x0]  }
.Ltmp1:
0x43: {  	_ =	swait.ge [sflag:s9], $0x8000;
	(pc) =	sbr.rel @p0 .LBB2_1-.Ltmp1, $4  }
0x44: {  	[sflag:s9] =	ssyncset.done $0x0  }
0x45: {  	[sflag:s9] =	ssyncadd.s32 $0xFFFF8000  }
0x46: {  	_ =	swait.ge [sflag:s12], $0x8000  }
0x47: {  	[sflag:s12] =	ssyncset.done $0x0  }
.LBB2_2:
0x48: {  	[sflag:s12] =	ssyncadd.s32 $0xFFFF8000  }
0x49: {  	_ =	sfence.sel $0x180000  }
0x4a: {  	[bflag:$0x0] =	sbarrier.arrive $0xFFFF  }
0x4b: {  	p0 =	sne.s32 s1, $0x0;
	_ =	strace $0x90000047  }
0x4c: {  	s0 =	sadd.s32 @!p0 $0x100000, s0;
	[bflag:$0x2] =	sbarrier.arrive $0xFFFF  }
0x4d: {  	[sflag:s0] =	ssyncadd.tile.s32 @!p0 $0x1;
	_ =	shalt  }
.Lfunc_end2:
_tile_overlayer_lowered:
.L_overlay_start_2:
0x4e: {  	(tag) =	ssettag $0x2  }
0x4f: {  	s0 =	rddreg [dreg:$0x0];
	s2 =	stileid.u32  }
0x50: {  	s1 =	rddreg [dreg:$0x1];
	p0 =	sne.s32 s2, $0x0  }
0x51: {  	s3 =	rddreg [dreg:$0x2];
	[bflag:$0x3] =	sbarrier.arrive $0xFFFF;
	s2 =	simm.s32 @!p0 $0x1C01  }
0x52: {  	[timem:s3], [sflag:s2] =	dma.local @!p0 [hbm:s0], s1  }
0x53: {  	s0 =	simm.s32 @!p0 $0x1  }
0x54: {  	_ =	swait.ge @!p0 [sflag:s0], s1  }
0x55: {  	s1 =	ssub.s32 @!p0 $0x0, s1;
	[sflag:s0] =	ssyncset.done @!p0 $0x0  }
0x56: {  	[sflag:s0] =	ssyncadd.s32 @!p0 s1  }
0x57: {  	[bflag:$0x3] =	sbarrier.arrive $0xFFFF  }
0x58: {  	_ =	shalt  }

</sc_bundles>
